<compile_context>
chip_gen: v7x
topology: tpu7x:2x2x1
jax: 0.10.2.dev20260603
libtpu: 0.0.44.dev20260713+nightly
codegen_flags: <defaults>
</compile_context>

<pallas_src>
import functools

import jax
import jax.numpy as jnp
from jax import lax
from jax.experimental import pallas as pl
from jax.experimental.pallas import tpu as pltpu
from jax.experimental.pallas import tpu_sc as plsc

N = 10000
E = 320000
NC = 2
NS = 16
CHUNK = 80
CHUNK_GAT = 80
ROW_BLK = 1000
F32 = jnp.float32
PREC = lax.Precision.HIGHEST


def _mesh():
    return plsc.VectorSubcoreMesh(core_axis_name="c", subcore_axis_name="s")


_SC_PARAMS = pltpu.CompilerParams(use_tc_tiling_on_sc=False,
                                  needs_layout_passes=False)



def _mm_kernel(x_ref, w_ref, o_ref):
    o_ref[...] = jnp.dot(x_ref[...], w_ref[...], precision=PREC,
                         preferred_element_type=F32)


def _matmul(x, w):
    n, k = x.shape
    m = w.shape[1]
    return pl.pallas_call(
        _mm_kernel,
        grid=(n // ROW_BLK,),
        in_specs=[pl.BlockSpec((ROW_BLK, k), lambda i: (i, 0)),
                  pl.BlockSpec((k, m), lambda i: (0, 0))],
        out_specs=pl.BlockSpec((ROW_BLK, m), lambda i: (i, 0)),
        out_shape=jax.ShapeDtypeStruct((n, m), F32),
    )(x, w)


def _degsum_kernel(degp_ref, dinv_ref):
    dp = degp_ref[...]
    dinv_ref[...] = lax.rsqrt(1.0 + dp[0, :, 0] + dp[1, :, 0])[:, None]


def _degsum(degp):
    return pl.pallas_call(
        _degsum_kernel,
        grid=(1,),
        in_specs=[pl.BlockSpec((NC, N, 16), lambda i: (0, 0, 0))],
        out_specs=pl.BlockSpec((N, 1), lambda i: (0, 0)),
        out_shape=jax.ShapeDtypeStruct((N, 1), F32),
    )(degp)


def _prescale_kernel(dinv_ref, xw_ref, xws_ref):
    xws_ref[...] = dinv_ref[...] * xw_ref[...]


def _prescale(dinv, xw):
    n, m = xw.shape
    return pl.pallas_call(
        _prescale_kernel,
        grid=(n // ROW_BLK,),
        in_specs=[pl.BlockSpec((ROW_BLK, 1), lambda i: (i, 0)),
                  pl.BlockSpec((ROW_BLK, m), lambda i: (i, 0))],
        out_specs=pl.BlockSpec((ROW_BLK, m), lambda i: (i, 0)),
        out_shape=jax.ShapeDtypeStruct((n, m), F32),
    )(dinv, xw)


def _gcn_post_kernel(acc_ref, dinv_ref, b_ref, o_ref, *, act):
    v = dinv_ref[...] * (acc_ref[0] + acc_ref[1]) + b_ref[...][None, :]
    if act:
        v = jnp.maximum(v, 0.0)
    o_ref[...] = v


def _gcn_post(acc, dinv, b, act):
    n, m = acc.shape[1], acc.shape[2]
    return pl.pallas_call(
        functools.partial(_gcn_post_kernel, act=act),
        grid=(n // ROW_BLK,),
        in_specs=[pl.BlockSpec((NC, ROW_BLK, m), lambda i: (0, i, 0)),
                  pl.BlockSpec((ROW_BLK, 1), lambda i: (i, 0)),
                  pl.BlockSpec((m,), lambda i: (0,))],
        out_specs=pl.BlockSpec((ROW_BLK, m), lambda i: (i, 0)),
        out_shape=jax.ShapeDtypeStruct((n, m), F32),
    )(acc, dinv, b)


def _gat_mm_kernel(h_ref, w_ref, aa_ref, xw_ref, a_ref):
    xw = jnp.dot(h_ref[...], w_ref[...], precision=PREC,
                 preferred_element_type=F32)
    xw_ref[...] = xw
    a_ref[...] = jnp.dot(xw, aa_ref[...], precision=PREC,
                         preferred_element_type=F32)


def _gat_mm(h, w, aa):
    n, k = h.shape
    m = w.shape[1]
    return pl.pallas_call(
        _gat_mm_kernel,
        grid=(n // ROW_BLK,),
        in_specs=[pl.BlockSpec((ROW_BLK, k), lambda i: (i, 0)),
                  pl.BlockSpec((k, m), lambda i: (0, 0)),
                  pl.BlockSpec((m, 8), lambda i: (0, 0))],
        out_specs=[pl.BlockSpec((ROW_BLK, m), lambda i: (i, 0)),
                   pl.BlockSpec((ROW_BLK, 8), lambda i: (i, 0))],
        out_shape=[jax.ShapeDtypeStruct((n, m), F32),
                   jax.ShapeDtypeStruct((n, 8), F32)],
    )(h, w, aa)


def _pack_kernel(xw_ref, a_ref, xwz_ref, zd_ref):
    zpad = jnp.zeros((ROW_BLK, 14), F32)
    for h in range(2):
        xwz_ref[h] = jnp.concatenate(
            [xw_ref[:, h * 128:(h + 1) * 128], a_ref[:, 2 * h:2 * h + 2], zpad],
            axis=1)
        zd_ref[h] = jnp.concatenate([a_ref[:, 4 + 2 * h:6 + 2 * h], zpad],
                                    axis=1)


def _pack(xw, a):
    n = xw.shape[0]
    return pl.pallas_call(
        _pack_kernel,
        grid=(n // ROW_BLK,),
        in_specs=[pl.BlockSpec((ROW_BLK, 256), lambda i: (i, 0)),
                  pl.BlockSpec((ROW_BLK, 8), lambda i: (i, 0))],
        out_specs=[pl.BlockSpec((NC, ROW_BLK, 144), lambda i: (0, i, 0)),
                   pl.BlockSpec((NC, ROW_BLK, 16), lambda i: (0, i, 0))],
        out_shape=[jax.ShapeDtypeStruct((NC, n, 144), F32),
                   jax.ShapeDtypeStruct((NC, n, 16), F32)],
    )(xw, a)


def _gat_post_kernel(accf_ref, den_ref, xw_ref, a_ref, b_ref, o_ref):
    a = a_ref[...]
    z = a[:, 0:4] + a[:, 4:8]
    exs = jnp.exp(jnp.maximum(z, 0.2 * z))
    for h in range(4):
        eh = exs[:, h:h + 1]
        num = accf_ref[:, h * 64:(h + 1) * 64] + eh * xw_ref[:, h * 64:(h + 1) * 64]
        dh = jnp.maximum(den_ref[:, h:h + 1] + eh, 1e-16)
        v = num / dh + b_ref[...][None, h * 64:(h + 1) * 64]
        o_ref[:, h * 64:(h + 1) * 64] = jnp.where(v > 0, v, jnp.exp(jnp.minimum(v, 0.0)) - 1.0)


def _gat_post(accf, den, xw, a, b):
    n = accf.shape[0]
    return pl.pallas_call(
        _gat_post_kernel,
        grid=(n // ROW_BLK,),
        in_specs=[pl.BlockSpec((ROW_BLK, 256), lambda i: (i, 0)),
                  pl.BlockSpec((ROW_BLK, 4), lambda i: (i, 0)),
                  pl.BlockSpec((ROW_BLK, 256), lambda i: (i, 0)),
                  pl.BlockSpec((ROW_BLK, 8), lambda i: (i, 0)),
                  pl.BlockSpec((256,), lambda i: (0,))],
        out_specs=pl.BlockSpec((ROW_BLK, 256), lambda i: (i, 0)),
        out_shape=jax.ShapeDtypeStruct((n, 256), F32),
    )(accf, den, xw, a, b)


def _mm_scale_kernel(x_ref, w_ref, dinv_ref, o_ref):
    o_ref[...] = dinv_ref[...] * jnp.dot(x_ref[...], w_ref[...], precision=PREC,
                                         preferred_element_type=F32)


def _mm_scale(x, w, dinv):
    n, k = x.shape
    m = w.shape[1]
    return pl.pallas_call(
        _mm_scale_kernel,
        grid=(n // ROW_BLK,),
        in_specs=[pl.BlockSpec((ROW_BLK, k), lambda i: (i, 0)),
                  pl.BlockSpec((k, m), lambda i: (0, 0)),
                  pl.BlockSpec((ROW_BLK, 1), lambda i: (i, 0))],
        out_specs=pl.BlockSpec((ROW_BLK, m), lambda i: (i, 0)),
        out_shape=jax.ShapeDtypeStruct((n, m), F32),
    )(x, w, dinv)



def _sc_deg(dst, zeros16):
    epw = E // (NC * NS)
    nchunk = epw // CHUNK

    @functools.partial(
        pl.kernel, mesh=_mesh(), compiler_params=_SC_PARAMS,
        out_type=jax.ShapeDtypeStruct((NC, N, 16), F32),
        scratch_types=[
            pltpu.VMEM((CHUNK,), jnp.int32),
            pltpu.VMEM((CHUNK, 16), F32),
            pltpu.VMEM_SHARED((N, 16), F32),
            pltpu.SemaphoreType.DMA,
        ])
    def k(dst_hbm, z_hbm, out_hbm, idx_d, ones_v, acc_sh, sem):
        c = lax.axis_index("c")
        s = lax.axis_index("s")
        one = jnp.full((16,), 1.0, F32)

        @pl.loop(0, CHUNK)
        def _(r):
            ones_v[r] = one

        @pl.when(s == 0)
        def _():
            pltpu.sync_copy(z_hbm, acc_sh)

        plsc.subcore_barrier()
        base0 = (c * NS + s) * epw

        @pl.loop(0, nchunk)
        def _(j):
            base = base0 + j * CHUNK
            pltpu.sync_copy(dst_hbm.at[pl.ds(base, CHUNK)], idx_d)
            pltpu.sync_copy(ones_v, acc_sh.at[idx_d], add=True)

        plsc.subcore_barrier()

        @pl.when(s == 0)
        def _():
            pltpu.sync_copy(acc_sh, out_hbm.at[c])

    return k(dst, zeros16)


def _sc_gcn(xws, src, dst, zeros64):
    epw = E // (NC * NS)
    nchunk = epw // CHUNK

    @functools.partial(
        pl.kernel, mesh=_mesh(), compiler_params=_SC_PARAMS,
        out_type=jax.ShapeDtypeStruct((NC, N, 64), F32),
        scratch_types=[
            pltpu.VMEM((CHUNK,), jnp.int32),
            pltpu.VMEM((CHUNK,), jnp.int32),
            pltpu.VMEM((CHUNK,), jnp.int32),
            pltpu.VMEM((CHUNK,), jnp.int32),
            pltpu.VMEM((CHUNK, 64), F32),
            pltpu.VMEM((CHUNK, 64), F32),
            pltpu.VMEM_SHARED((N, 64), F32),
            pltpu.SemaphoreType.DMA,
            pltpu.SemaphoreType.DMA,
            pltpu.SemaphoreType.DMA,
            pltpu.SemaphoreType.DMA,
        ])
    def k(xws_hbm, src_hbm, dst_hbm, z_hbm, out_hbm,
          idx_sa, idx_da, idx_sb, idx_db, rows_a, rows_b, acc_sh,
          sem_fa, sem_fb, sem_sa, sem_sb):
        c = lax.axis_index("c")
        s = lax.axis_index("s")

        @pl.when(jnp.logical_and(s == 0, c == 0))
        def _():
            pltpu.sync_copy(xws_hbm, acc_sh)

        @pl.when(jnp.logical_and(s == 0, c == 1))
        def _():
            pltpu.sync_copy(z_hbm, acc_sh)

        plsc.subcore_barrier()
        base0 = (c * NS + s) * epw

        @pl.loop(0, nchunk)
        def _(j):
            base = base0 + j * CHUNK
            pltpu.sync_copy(src_hbm.at[pl.ds(base, CHUNK)], idx_sa)
            pltpu.sync_copy(dst_hbm.at[pl.ds(base, CHUNK)], idx_da)
            pltpu.async_copy(xws_hbm.at[idx_sa], rows_a, sem_fa).wait()
            pltpu.sync_copy(rows_a, acc_sh.at[idx_da], add=True)

        plsc.subcore_barrier()

        @pl.when(s == 0)
        def _():
            pltpu.sync_copy(acc_sh, out_hbm.at[c])

    return k(xws, src, dst, zeros64)


def _sc_gat(xwz, zd, src, dst, zeros144):
    ck = CHUNK_GAT
    epw = E // NS
    nchunk = epw // ck

    @functools.partial(
        pl.kernel, mesh=_mesh(), compiler_params=_SC_PARAMS,
        out_type=jax.ShapeDtypeStruct((NC, N, 144), F32),
        scratch_types=(
            [pltpu.VMEM((ck,), jnp.int32)] * 3
            + [pltpu.VMEM((ck, 144), F32)] * 2
            + [pltpu.VMEM((ck, 16), F32)]
            + [pltpu.VMEM_SHARED((N, 144), F32)]
            + [pltpu.SemaphoreType.DMA]
        ))
    def k(xwz_hbm, zd_hbm, src_hbm, dst_hbm, z_hbm, out_hbm,
          idx_s, idx_d, idx_ds, frows, srows, zdst, acc_sh, sem):
        c = lax.axis_index("c")
        s = lax.axis_index("s")

        @pl.when(s == 0)
        def _():
            pltpu.sync_copy(z_hbm, acc_sh)

        plsc.subcore_barrier()
        offv = jnp.full((16,), c * N, jnp.int32)
        lanes = lax.iota(jnp.int32, 16)
        mask01 = lanes < 2
        zero16 = jnp.zeros((16,), F32)
        base0 = s * epw

        @pl.loop(0, nchunk)
        def _(j):
            base = base0 + j * ck
            pltpu.sync_copy(src_hbm.at[pl.ds(base, ck)], idx_s)
            pltpu.sync_copy(dst_hbm.at[pl.ds(base, ck)], idx_d)

            @pl.loop(0, ck // 16)
            def _(t):
                sl = pl.ds(t * 16, 16)
                idx_ds[sl] = idx_d[sl]
                idx_s[sl] = idx_s[sl] + offv
                idx_d[sl] = idx_d[sl] + offv

            pltpu.async_copy(xwz_hbm.at[idx_s], frows, sem).wait()
            pltpu.async_copy(zd_hbm.at[idx_d], zdst, sem).wait()

            @pl.loop(0, ck)
            def _(r):
                z = frows[r, pl.ds(128, 16)] + zdst[r]
                ex = jnp.exp(jnp.maximum(z, 0.2 * z))
                srows[r, pl.ds(128, 16)] = jnp.where(mask01, ex, zero16)
                rsplat = jnp.full((16,), r, jnp.int32)
                ex0 = plsc.load_gather(srows, [rsplat,
                                               jnp.full((16,), 128, jnp.int32)])
                ex1 = plsc.load_gather(srows, [rsplat,
                                               jnp.full((16,), 129, jnp.int32)])
                for t in range(4):
                    sl = pl.ds(t * 16, 16)
                    srows[r, sl] = frows[r, sl] * ex0
                for t in range(4, 8):
                    sl = pl.ds(t * 16, 16)
                    srows[r, sl] = frows[r, sl] * ex1

            pltpu.sync_copy(srows, acc_sh.at[idx_ds], add=True)

        plsc.subcore_barrier()

        @pl.when(s == 0)
        def _():
            pltpu.sync_copy(acc_sh, out_hbm.at[c])

    return k(xwz, zd, src, dst, zeros144)



def kernel(x, edge_index, W1, b1, W2, att_src, att_dst, b2, W3, b3):
    src = edge_index[0]
    dst = edge_index[1]

    eye = jnp.eye(4, dtype=F32)
    asrc_m = (att_src[:, :, None] * eye[:, None, :]).reshape(256, 4)
    adst_m = (att_dst[:, :, None] * eye[:, None, :]).reshape(256, 4)
    aa = jnp.concatenate([asrc_m, adst_m], axis=1)

    z16 = jnp.zeros((N, 16), F32)
    z64 = jnp.zeros((N, 64), F32)
    z144 = jnp.zeros((N, 144), F32)

    degp = _sc_deg(dst, z16)
    xw1 = _matmul(x, W1)
    dinv = _degsum(degp)
    xws1 = _prescale(dinv, xw1)

    acc1 = _sc_gcn(xws1, src, dst, z64)
    h1 = _gcn_post(acc1, dinv, b1, act=True)

    xw2, a = _gat_mm(h1, W2, aa)
    xwz, zd = _pack(xw2, a)
    acc2 = _sc_gat(xwz.reshape(NC * N, 144), zd.reshape(NC * N, 16),
                   src, dst, z144)
    accf = jnp.concatenate([acc2[0, :, :128], acc2[1, :, :128]], axis=1)
    den = jnp.concatenate([acc2[0, :, 128:130], acc2[1, :, 128:130]], axis=1)
    h2 = _gat_post(accf, den, xw2, a, b2)

    xws3 = _mm_scale(h2, W3, dinv)
    acc3 = _sc_gcn(xws3, src, dst, z64)
    return _gcn_post(acc3, dinv, b3, act=False)

# --- scband reference (transcript-rebuilt; emitter-appended) ---
"""Pipeline reference for scband-hybrid-gnn-63032940036573 (READ-ONLY COPY).

The authoritative reference and input builder live on the scoring server;
editing this copy changes nothing except your own understanding.
"""

import jax, jax.numpy as jnp
import numpy as np

N = 10000
E = 320000
IN_C = 128
HID = 64
HEADS = 4
OUT_C = 64


def _gcn(x, ei, W, b):
    n = x.shape[0]
    sl = jnp.arange(n, dtype=ei.dtype)
    src = jnp.concatenate([ei[0], sl])
    dst = jnp.concatenate([ei[1], sl])
    deg = jnp.zeros((n,), jnp.float32).at[dst].add(1.0)
    dinv = jax.lax.rsqrt(jnp.maximum(deg, 1e-12))
    norm = dinv[src] * dinv[dst]
    xw = x @ W
    out = jnp.zeros((n, W.shape[1]), jnp.float32).at[dst].add(xw[src] * norm[:, None])
    return out + b


def _gat(x, ei, W, att_src, att_dst, b, heads):
    n = x.shape[0]
    dh = W.shape[1] // heads
    sl = jnp.arange(n, dtype=ei.dtype)
    src = jnp.concatenate([ei[0], sl])
    dst = jnp.concatenate([ei[1], sl])
    xw = (x @ W).reshape(n, heads, dh)
    a_src = (xw * att_src[None, :, :]).sum(-1)
    a_dst = (xw * att_dst[None, :, :]).sum(-1)
    e = jax.nn.leaky_relu(a_src[src] + a_dst[dst], 0.2)
    emax = jnp.full((n, heads), -jnp.inf, jnp.float32).at[dst].max(e)
    emax = jax.lax.stop_gradient(emax)
    ex = jnp.exp(e - emax[dst])
    denom = jnp.zeros((n, heads), jnp.float32).at[dst].add(ex)
    alpha = ex / jnp.maximum(denom[dst], 1e-16)
    out = jnp.zeros((n, heads, dh), jnp.float32).at[dst].add(xw[src] * alpha[..., None])
    return out.reshape(n, heads * dh) + b


def setup_inputs(seed: int = 0) -> dict:
    key = jax.random.key(seed)
    ks = jax.random.split(key, 8)
    x = jax.random.normal(ks[0], (N, IN_C), dtype=jnp.float32)
    edge_index = jax.random.randint(ks[1], (2, E), 0, N, dtype=jnp.int32)
    W1 = jax.random.normal(ks[2], (IN_C, HID), dtype=jnp.float32) / np.sqrt(IN_C)
    b1 = jnp.zeros((HID,), dtype=jnp.float32)
    W2 = jax.random.normal(ks[3], (HID, HEADS * HID), dtype=jnp.float32) / np.sqrt(HID)
    att_src = jax.random.normal(ks[4], (HEADS, HID), dtype=jnp.float32) / np.sqrt(HID)
    att_dst = jax.random.normal(ks[5], (HEADS, HID), dtype=jnp.float32) / np.sqrt(HID)
    b2 = jnp.zeros((HEADS * HID,), dtype=jnp.float32)
    W3 = jax.random.normal(ks[6], (HEADS * HID, OUT_C), dtype=jnp.float32) / np.sqrt(HEADS * HID)
    b3 = jnp.zeros((OUT_C,), dtype=jnp.float32)
    return {"x": x, "edge_index": edge_index, "W1": W1, "b1": b1, "W2": W2,
            "att_src": att_src, "att_dst": att_dst, "b2": b2, "W3": W3, "b3": b3}


def reference(x, edge_index, W1, b1, W2, att_src, att_dst, b2, W3, b3):
    # eval mode: F.dropout and GAT attention dropout are no-ops
    h = jax.nn.relu(_gcn(x, edge_index, W1, b1))
    h = jax.nn.elu(_gat(h, edge_index, W2, att_src, att_dst, b2, HEADS))
    out = _gcn(h, edge_index, W3, b3)
    return out

if __name__ == "__main__":
    import jax
    _d = setup_inputs()
    print(jax.jit(kernel)(*tuple(_d.values())))

</pallas_src>

<mosaic_0001>
#map = affine_map<(d0, d1) -> (0, 0)>
#map1 = affine_map<(d0, d1) -> (0)>
#map2 = affine_map<(d0, d1) -> (0, 0, 0)>
module attributes {stable_mosaic.version = 14 : i64} {
  func.func @k(%arg0: i32, %arg1: i32, %arg2: memref<10000x64xf32, #tpu.memory_space<hbm>>, %arg3: memref<320000xi32, #tpu.memory_space<hbm>>, %arg4: memref<320000xi32, #tpu.memory_space<hbm>>, %arg5: memref<10000x64xf32, #tpu.memory_space<hbm>>, %arg6: memref<2x10000x64xf32, #tpu.memory_space<hbm>>, %arg7: memref<80xi32, #tpu.memory_space<vmem>>, %arg8: memref<80xi32, #tpu.memory_space<vmem>>, %arg9: memref<80xi32, #tpu.memory_space<vmem>>, %arg10: memref<80xi32, #tpu.memory_space<vmem>>, %arg11: memref<80x64xf32, #tpu.memory_space<vmem>>, %arg12: memref<80x64xf32, #tpu.memory_space<vmem>>, %arg13: memref<10000x64xf32, #tpu.memory_space<vmem_shared>>, %arg14: memref<!tpu.dma_semaphore, #tpu.memory_space<semaphore_mem>>, %arg15: memref<!tpu.dma_semaphore, #tpu.memory_space<semaphore_mem>>, %arg16: memref<!tpu.dma_semaphore, #tpu.memory_space<semaphore_mem>>, %arg17: memref<!tpu.dma_semaphore, #tpu.memory_space<semaphore_mem>>) attributes {dimension_semantics = [#tpu.dimension_semantics<core_parallel>, #tpu.dimension_semantics<subcore_parallel>], iteration_bounds = array<i64: 2, 16>, scalar_prefetch = 0 : i64, scratch_operands = 11 : i64, tpu.core_type = #tpu.core_type<sc_vector_subcore>, window_params = [{transform_indices = #map}, {transform_indices = #map1}, {transform_indices = #map1}, {transform_indices = #map}, {transform_indices = #map2}]} {
    %eq3A = arith.constant 0 : i32
    %eq3A_0 = arith.cmpi eq, %arg1, %eq3A : i32
    %eq3A_1 = arith.constant 0 : i32
    %eq3A_2 = arith.cmpi eq, %arg0, %eq3A_1 : i32
    %and3A = arith.andi %eq3A_0, %eq3A_2 : i1
    %convert_element_type3A = arith.extui %and3A : i1 to i32
    %cond3A = arith.constant 0 : i32
    %cond3A_3 = arith.cmpi ne, %convert_element_type3A, %cond3A : i32
    scf.if %cond3A_3 {
      "tpu.region"() ({
        %run_scoped3A = tpu.sem_alloc : memref<!tpu.dma_semaphore, #tpu.memory_space<semaphore_mem>>
        tpu.enqueue_dma source(%arg2 : memref<10000x64xf32, #tpu.memory_space<hbm>>) target(%arg13 : memref<10000x64xf32, #tpu.memory_space<vmem_shared>>) target_semaphore(%run_scoped3A : memref<!tpu.dma_semaphore, #tpu.memory_space<semaphore_mem>>)
        tpu.wait_dma2 semaphore(%run_scoped3A : memref<!tpu.dma_semaphore, #tpu.memory_space<semaphore_mem>>) src(%arg2 : memref<10000x64xf32, #tpu.memory_space<hbm>>) dst(%arg13 : memref<10000x64xf32, #tpu.memory_space<vmem_shared>>)
        tpu.yield
      }) : () -> ()
    } else {
    }
    %eq3A_4 = arith.constant 0 : i32
    %eq3A_5 = arith.cmpi eq, %arg1, %eq3A_4 : i32
    %eq3A_6 = arith.constant 1 : i32
    %eq3A_7 = arith.cmpi eq, %arg0, %eq3A_6 : i32
    %and3A_8 = arith.andi %eq3A_5, %eq3A_7 : i1
    %convert_element_type3A_9 = arith.extui %and3A_8 : i1 to i32
    %cond3A_10 = arith.constant 0 : i32
    %cond3A_11 = arith.cmpi ne, %convert_element_type3A_9, %cond3A_10 : i32
    scf.if %cond3A_11 {
      "tpu.region"() ({
        %run_scoped3A = tpu.sem_alloc : memref<!tpu.dma_semaphore, #tpu.memory_space<semaphore_mem>>
        tpu.enqueue_dma source(%arg5 : memref<10000x64xf32, #tpu.memory_space<hbm>>) target(%arg13 : memref<10000x64xf32, #tpu.memory_space<vmem_shared>>) target_semaphore(%run_scoped3A : memref<!tpu.dma_semaphore, #tpu.memory_space<semaphore_mem>>)
        tpu.wait_dma2 semaphore(%run_scoped3A : memref<!tpu.dma_semaphore, #tpu.memory_space<semaphore_mem>>) src(%arg5 : memref<10000x64xf32, #tpu.memory_space<hbm>>) dst(%arg13 : memref<10000x64xf32, #tpu.memory_space<vmem_shared>>)
        tpu.yield
      }) : () -> ()
    } else {
    }
    %barrier3A = arith.constant 0 : index
    tpu.barrier barrier_id(%barrier3A)
    %mul3A = arith.constant 16 : i32
    %mul3A_12 = arith.muli %arg0, %mul3A : i32
    %add3A = arith.addi %mul3A_12, %arg1 : i32
    %mul3A_13 = arith.constant 10000 : i32
    %mul3A_14 = arith.muli %add3A, %mul3A_13 : i32
    %scan3A = arith.constant 0 : i32
    %scan3A_15 = arith.constant 125 : i32
    %scan3A_16 = arith.addi %scan3A, %scan3A_15 : i32
    %scan3A_17 = arith.constant 1 : i32
    scf.for %scan3A_25 = %scan3A to %scan3A_16 step %scan3A_17  : i32 {
      %mul3A_26 = arith.constant 1 : i32
      %mul3A_27 = arith.muli %scan3A_25, %mul3A_26 : i32
      %add3A_28 = arith.constant 0 : i32
      %add3A_29 = arith.addi %add3A_28, %mul3A_27 : i32
      %mul3A_30 = arith.constant 80 : i32
      %mul3A_31 = arith.muli %add3A_29, %mul3A_30 : i32
      %add3A_32 = arith.addi %mul3A_14, %mul3A_31 : i32
      "tpu.region"() ({
        %run_scoped3A = tpu.sem_alloc : memref<!tpu.dma_semaphore, #tpu.memory_space<semaphore_mem>>
        %dma_start3A_37 = tpu.memref_slice %arg3[%add3A_32] : memref<320000xi32, #tpu.memory_space<hbm>> -> memref<80xi32, #tpu.memory_space<hbm>>
        %dma_start3A_38 = tpu.memref_slice %arg3[%add3A_32] : memref<320000xi32, #tpu.memory_space<hbm>> -> memref<80xi32, #tpu.memory_space<hbm>>
        tpu.enqueue_dma source(%dma_start3A_38 : memref<80xi32, #tpu.memory_space<hbm>>) target(%arg7 : memref<80xi32, #tpu.memory_space<vmem>>) target_semaphore(%run_scoped3A : memref<!tpu.dma_semaphore, #tpu.memory_space<semaphore_mem>>)
        %dma_wait3A_39 = tpu.memref_slice %arg3[%add3A_32] : memref<320000xi32, #tpu.memory_space<hbm>> -> memref<80xi32, #tpu.memory_space<hbm>>
        %dma_wait3A_40 = tpu.memref_slice %arg3[%add3A_32] : memref<320000xi32, #tpu.memory_space<hbm>> -> memref<80xi32, #tpu.memory_space<hbm>>
        tpu.wait_dma2 semaphore(%run_scoped3A : memref<!tpu.dma_semaphore, #tpu.memory_space<semaphore_mem>>) src(%dma_wait3A_40 : memref<80xi32, #tpu.memory_space<hbm>>) dst(%arg7 : memref<80xi32, #tpu.memory_space<vmem>>)
        tpu.yield
      }) : () -> ()
      "tpu.region"() ({
        %run_scoped3A = tpu.sem_alloc : memref<!tpu.dma_semaphore, #tpu.memory_space<semaphore_mem>>
        %dma_start3A_37 = tpu.memref_slice %arg4[%add3A_32] : memref<320000xi32, #tpu.memory_space<hbm>> -> memref<80xi32, #tpu.memory_space<hbm>>
        %dma_start3A_38 = tpu.memref_slice %arg4[%add3A_32] : memref<320000xi32, #tpu.memory_space<hbm>> -> memref<80xi32, #tpu.memory_space<hbm>>
        tpu.enqueue_dma source(%dma_start3A_38 : memref<80xi32, #tpu.memory_space<hbm>>) target(%arg8 : memref<80xi32, #tpu.memory_space<vmem>>) target_semaphore(%run_scoped3A : memref<!tpu.dma_semaphore, #tpu.memory_space<semaphore_mem>>)
        %dma_wait3A_39 = tpu.memref_slice %arg4[%add3A_32] : memref<320000xi32, #tpu.memory_space<hbm>> -> memref<80xi32, #tpu.memory_space<hbm>>
        %dma_wait3A_40 = tpu.memref_slice %arg4[%add3A_32] : memref<320000xi32, #tpu.memory_space<hbm>> -> memref<80xi32, #tpu.memory_space<hbm>>
        tpu.wait_dma2 semaphore(%run_scoped3A : memref<!tpu.dma_semaphore, #tpu.memory_space<semaphore_mem>>) src(%dma_wait3A_40 : memref<80xi32, #tpu.memory_space<hbm>>) dst(%arg8 : memref<80xi32, #tpu.memory_space<vmem>>)
        tpu.yield
      }) : () -> ()
      %dma_start3A = arith.constant 0 : i32
      %dma_start3A_33 = arith.constant 0 : i32
      %dma_start3A_34 = tpu.memref_slice %arg2[%dma_start3A, %dma_start3A_33] : memref<10000x64xf32, #tpu.memory_space<hbm>> -> memref<10000x64xf32, #tpu.memory_space<hbm>>
      tpu.enqueue_indirect_dma source(%dma_start3A_34 : memref<10000x64xf32, #tpu.memory_space<hbm>>) target(%arg11 : memref<80x64xf32, #tpu.memory_space<vmem>>) offsets(%arg7 : memref<80xi32, #tpu.memory_space<vmem>>) semaphore(%arg14 : memref<!tpu.dma_semaphore, #tpu.memory_space<semaphore_mem>>)
      %dma_wait3A = arith.constant 0 : i32
      %dma_wait3A_35 = arith.constant 0 : i32
      %dma_wait3A_36 = tpu.memref_slice %arg2[%dma_wait3A, %dma_wait3A_35] : memref<10000x64xf32, #tpu.memory_space<hbm>> -> memref<10000x64xf32, #tpu.memory_space<hbm>>
      tpu.wait_indirect_dma semaphore(%arg14 : memref<!tpu.dma_semaphore, #tpu.memory_space<semaphore_mem>>) src(%dma_wait3A_36 : memref<10000x64xf32, #tpu.memory_space<hbm>>) dst(%arg11 : memref<80x64xf32, #tpu.memory_space<vmem>>)
      "tpu.region"() ({
        %run_scoped3A = tpu.sem_alloc : memref<!tpu.dma_semaphore, #tpu.memory_space<semaphore_mem>>
        %dma_start3A_37 = arith.constant 0 : i32
        %dma_start3A_38 = arith.constant 0 : i32
        %dma_start3A_39 = tpu.memref_slice %arg13[%dma_start3A_37, %dma_start3A_38] : memref<10000x64xf32, #tpu.memory_space<vmem_shared>> -> memref<10000x64xf32, #tpu.memory_space<vmem_shared>>
        tpu.enqueue_indirect_dma source(%arg11 : memref<80x64xf32, #tpu.memory_space<vmem>>) target(%dma_start3A_39 : memref<10000x64xf32, #tpu.memory_space<vmem_shared>>) offsets(%arg8 : memref<80xi32, #tpu.memory_space<vmem>>) semaphore(%run_scoped3A : memref<!tpu.dma_semaphore, #tpu.memory_space<semaphore_mem>>) {add = true}
        %dma_wait3A_40 = arith.constant 0 : i32
        %dma_wait3A_41 = arith.constant 0 : i32
        %dma_wait3A_42 = tpu.memref_slice %arg13[%dma_wait3A_40, %dma_wait3A_41] : memref<10000x64xf32, #tpu.memory_space<vmem_shared>> -> memref<10000x64xf32, #tpu.memory_space<vmem_shared>>
        tpu.wait_indirect_dma semaphore(%run_scoped3A : memref<!tpu.dma_semaphore, #tpu.memory_space<semaphore_mem>>) src(%arg11 : memref<80x64xf32, #tpu.memory_space<vmem>>) dst(%dma_wait3A_42 : memref<10000x64xf32, #tpu.memory_space<vmem_shared>>)
        tpu.yield
      }) : () -> ()
    }
    %scan3A_18 = arith.constant 125 : i32
    %barrier3A_19 = arith.constant 0 : index
    tpu.barrier barrier_id(%barrier3A_19)
    %eq3A_20 = arith.constant 0 : i32
    %eq3A_21 = arith.cmpi eq, %arg1, %eq3A_20 : i32
    %convert_element_type3A_22 = arith.extui %eq3A_21 : i1 to i32
    %cond3A_23 = arith.constant 0 : i32
    %cond3A_24 = arith.cmpi ne, %convert_element_type3A_22, %cond3A_23 : i32
    scf.if %cond3A_24 {
      "tpu.region"() ({
        %run_scoped3A = tpu.sem_alloc : memref<!tpu.dma_semaphore, #tpu.memory_space<semaphore_mem>>
        %dma_start3A = arith.constant 0 : i32
        %dma_start3A_25 = arith.constant 0 : i32
        %dma_start3A_26 = tpu.memref_slice %arg6[%arg0, %dma_start3A, %dma_start3A_25] : memref<2x10000x64xf32, #tpu.memory_space<hbm>> -> memref<1x10000x64xf32, #tpu.memory_space<hbm>>
        %dma_start3A_27 = tpu.memref_squeeze %dma_start3A_26 : memref<1x10000x64xf32, #tpu.memory_space<hbm>> -> memref<10000x64xf32, #tpu.memory_space<hbm>>
        tpu.enqueue_dma source(%arg13 : memref<10000x64xf32, #tpu.memory_space<vmem_shared>>) target(%dma_start3A_27 : memref<10000x64xf32, #tpu.memory_space<hbm>>) target_semaphore(%run_scoped3A : memref<!tpu.dma_semaphore, #tpu.memory_space<semaphore_mem>>)
        %dma_wait3A = arith.constant 0 : i32
        %dma_wait3A_28 = arith.constant 0 : i32
        %dma_wait3A_29 = tpu.memref_slice %arg6[%arg0, %dma_wait3A, %dma_wait3A_28] : memref<2x10000x64xf32, #tpu.memory_space<hbm>> -> memref<1x10000x64xf32, #tpu.memory_space<hbm>>
        %dma_wait3A_30 = tpu.memref_squeeze %dma_wait3A_29 : memref<1x10000x64xf32, #tpu.memory_space<hbm>> -> memref<10000x64xf32, #tpu.memory_space<hbm>>
        tpu.wait_dma2 semaphore(%run_scoped3A : memref<!tpu.dma_semaphore, #tpu.memory_space<semaphore_mem>>) src(%arg13 : memref<10000x64xf32, #tpu.memory_space<vmem_shared>>) dst(%dma_wait3A_30 : memref<10000x64xf32, #tpu.memory_space<hbm>>)
        tpu.yield
      }) : () -> ()
    } else {
    }
    return
  }
}

#map = affine_map<(d0, d1) -> (0)>
#map1 = affine_map<(d0, d1) -> (0, 0)>
#map2 = affine_map<(d0, d1) -> (0, 0, 0)>
module attributes {stable_mosaic.version = 14 : i64} {
  func.func @k(%arg0: i32, %arg1: i32, %arg2: memref<320000xi32, #tpu.memory_space<hbm>>, %arg3: memref<10000x16xf32, #tpu.memory_space<hbm>>, %arg4: memref<2x10000x16xf32, #tpu.memory_space<hbm>>, %arg5: memref<80xi32, #tpu.memory_space<vmem>>, %arg6: memref<80x16xf32, #tpu.memory_space<vmem>>, %arg7: memref<10000x16xf32, #tpu.memory_space<vmem_shared>>, %arg8: memref<!tpu.dma_semaphore, #tpu.memory_space<semaphore_mem>>) attributes {dimension_semantics = [#tpu.dimension_semantics<core_parallel>, #tpu.dimension_semantics<subcore_parallel>], iteration_bounds = array<i64: 2, 16>, scalar_prefetch = 0 : i64, scratch_operands = 4 : i64, tpu.core_type = #tpu.core_type<sc_vector_subcore>, window_params = [{transform_indices = #map}, {transform_indices = #map1}, {transform_indices = #map2}]} {
    %broadcast_in_dim3A = arith.constant 1.000000e+00 : f32
    %broadcast_in_dim3A_0 = vector.broadcast %broadcast_in_dim3A : f32 to vector<16xf32>
    %scan3A = arith.constant 0 : i32
    %scan3A_1 = arith.constant 80 : i32
    %scan3A_2 = arith.addi %scan3A, %scan3A_1 : i32
    %scan3A_3 = arith.constant 1 : i32
    scf.for %scan3A_21 = %scan3A to %scan3A_2 step %scan3A_3  : i32 {
      %mul3A_22 = arith.constant 1 : i32
      %mul3A_23 = arith.muli %scan3A_21, %mul3A_22 : i32
      %add3A_24 = arith.constant 0 : i32
      %add3A_25 = arith.addi %add3A_24, %mul3A_23 : i32
      %swap3A = arith.index_cast %add3A_25 : i32 to index
      %swap3A_26 = arith.constant 0 : index
      %swap3A_27 = tpu.vector_load %arg6[%swap3A, %swap3A_26] {strides = array<i32>} : memref<80x16xf32, #tpu.memory_space<vmem>>, vector<16xf32>,
      tpu.vector_store %arg6[%swap3A, %swap3A_26], %broadcast_in_dim3A_0 {strides = array<i32>} : memref<80x16xf32, #tpu.memory_space<vmem>>, vector<16xf32>,
    }
    %scan3A_4 = arith.constant 80 : i32
    %eq3A = arith.constant 0 : i32
    %eq3A_5 = arith.cmpi eq, %arg1, %eq3A : i32
    %convert_element_type3A = arith.extui %eq3A_5 : i1 to i32
    %cond3A = arith.constant 0 : i32
    %cond3A_6 = arith.cmpi ne, %convert_element_type3A, %cond3A : i32
    scf.if %cond3A_6 {
      "tpu.region"() ({
        %run_scoped3A = tpu.sem_alloc : memref<!tpu.dma_semaphore, #tpu.memory_space<semaphore_mem>>
        tpu.enqueue_dma source(%arg3 : memref<10000x16xf32, #tpu.memory_space<hbm>>) target(%arg7 : memref<10000x16xf32, #tpu.memory_space<vmem_shared>>) target_semaphore(%run_scoped3A : memref<!tpu.dma_semaphore, #tpu.memory_space<semaphore_mem>>)
        tpu.wait_dma2 semaphore(%run_scoped3A : memref<!tpu.dma_semaphore, #tpu.memory_space<semaphore_mem>>) src(%arg3 : memref<10000x16xf32, #tpu.memory_space<hbm>>) dst(%arg7 : memref<10000x16xf32, #tpu.memory_space<vmem_shared>>)
        tpu.yield
      }) : () -> ()
    } else {
    }
    %barrier3A = arith.constant 0 : index
    tpu.barrier barrier_id(%barrier3A)
    %mul3A = arith.constant 16 : i32
    %mul3A_7 = arith.muli %arg0, %mul3A : i32
    %add3A = arith.addi %mul3A_7, %arg1 : i32
    %mul3A_8 = arith.constant 10000 : i32
    %mul3A_9 = arith.muli %add3A, %mul3A_8 : i32
    %scan3A_10 = arith.constant 0 : i32
    %scan3A_11 = arith.constant 125 : i32
    %scan3A_12 = arith.addi %scan3A_10, %scan3A_11 : i32
    %scan3A_13 = arith.constant 1 : i32
    scf.for %scan3A_21 = %scan3A_10 to %scan3A_12 step %scan3A_13  : i32 {
      %mul3A_22 = arith.constant 1 : i32
      %mul3A_23 = arith.muli %scan3A_21, %mul3A_22 : i32
      %add3A_24 = arith.constant 0 : i32
      %add3A_25 = arith.addi %add3A_24, %mul3A_23 : i32
      %mul3A_26 = arith.constant 80 : i32
      %mul3A_27 = arith.muli %add3A_25, %mul3A_26 : i32
      %add3A_28 = arith.addi %mul3A_9, %mul3A_27 : i32
      "tpu.region"() ({
        %run_scoped3A = tpu.sem_alloc : memref<!tpu.dma_semaphore, #tpu.memory_space<semaphore_mem>>
        %dma_start3A = tpu.memref_slice %arg2[%add3A_28] : memref<320000xi32, #tpu.memory_space<hbm>> -> memref<80xi32, #tpu.memory_space<hbm>>
        %dma_start3A_29 = tpu.memref_slice %arg2[%add3A_28] : memref<320000xi32, #tpu.memory_space<hbm>> -> memref<80xi32, #tpu.memory_space<hbm>>
        tpu.enqueue_dma source(%dma_start3A_29 : memref<80xi32, #tpu.memory_space<hbm>>) target(%arg5 : memref<80xi32, #tpu.memory_space<vmem>>) target_semaphore(%run_scoped3A : memref<!tpu.dma_semaphore, #tpu.memory_space<semaphore_mem>>)
        %dma_wait3A = tpu.memref_slice %arg2[%add3A_28] : memref<320000xi32, #tpu.memory_space<hbm>> -> memref<80xi32, #tpu.memory_space<hbm>>
        %dma_wait3A_30 = tpu.memref_slice %arg2[%add3A_28] : memref<320000xi32, #tpu.memory_space<hbm>> -> memref<80xi32, #tpu.memory_space<hbm>>
        tpu.wait_dma2 semaphore(%run_scoped3A : memref<!tpu.dma_semaphore, #tpu.memory_space<semaphore_mem>>) src(%dma_wait3A_30 : memref<80xi32, #tpu.memory_space<hbm>>) dst(%arg5 : memref<80xi32, #tpu.memory_space<vmem>>)
        tpu.yield
      }) : () -> ()
      "tpu.region"() ({
        %run_scoped3A = tpu.sem_alloc : memref<!tpu.dma_semaphore, #tpu.memory_space<semaphore_mem>>
        %dma_start3A = arith.constant 0 : i32
        %dma_start3A_29 = arith.constant 0 : i32
        %dma_start3A_30 = tpu.memref_slice %arg7[%dma_start3A, %dma_start3A_29] : memref<10000x16xf32, #tpu.memory_space<vmem_shared>> -> memref<10000x16xf32, #tpu.memory_space<vmem_shared>>
        tpu.enqueue_indirect_dma source(%arg6 : memref<80x16xf32, #tpu.memory_space<vmem>>) target(%dma_start3A_30 : memref<10000x16xf32, #tpu.memory_space<vmem_shared>>) offsets(%arg5 : memref<80xi32, #tpu.memory_space<vmem>>) semaphore(%run_scoped3A : memref<!tpu.dma_semaphore, #tpu.memory_space<semaphore_mem>>) {add = true}
        %dma_wait3A = arith.constant 0 : i32
        %dma_wait3A_31 = arith.constant 0 : i32
        %dma_wait3A_32 = tpu.memref_slice %arg7[%dma_wait3A, %dma_wait3A_31] : memref<10000x16xf32, #tpu.memory_space<vmem_shared>> -> memref<10000x16xf32, #tpu.memory_space<vmem_shared>>
        tpu.wait_indirect_dma semaphore(%run_scoped3A : memref<!tpu.dma_semaphore, #tpu.memory_space<semaphore_mem>>) src(%arg6 : memref<80x16xf32, #tpu.memory_space<vmem>>) dst(%dma_wait3A_32 : memref<10000x16xf32, #tpu.memory_space<vmem_shared>>)
        tpu.yield
      }) : () -> ()
    }
    %scan3A_14 = arith.constant 125 : i32
    %barrier3A_15 = arith.constant 0 : index
    tpu.barrier barrier_id(%barrier3A_15)
    %eq3A_16 = arith.constant 0 : i32
    %eq3A_17 = arith.cmpi eq, %arg1, %eq3A_16 : i32
    %convert_element_type3A_18 = arith.extui %eq3A_17 : i1 to i32
    %cond3A_19 = arith.constant 0 : i32
    %cond3A_20 = arith.cmpi ne, %convert_element_type3A_18, %cond3A_19 : i32
    scf.if %cond3A_20 {
      "tpu.region"() ({
        %run_scoped3A = tpu.sem_alloc : memref<!tpu.dma_semaphore, #tpu.memory_space<semaphore_mem>>
        %dma_start3A = arith.constant 0 : i32
        %dma_start3A_21 = arith.constant 0 : i32
        %dma_start3A_22 = tpu.memref_slice %arg4[%arg0, %dma_start3A, %dma_start3A_21] : memref<2x10000x16xf32, #tpu.memory_space<hbm>> -> memref<1x10000x16xf32, #tpu.memory_space<hbm>>
        %dma_start3A_23 = tpu.memref_squeeze %dma_start3A_22 : memref<1x10000x16xf32, #tpu.memory_space<hbm>> -> memref<10000x16xf32, #tpu.memory_space<hbm>>
        tpu.enqueue_dma source(%arg7 : memref<10000x16xf32, #tpu.memory_space<vmem_shared>>) target(%dma_start3A_23 : memref<10000x16xf32, #tpu.memory_space<hbm>>) target_semaphore(%run_scoped3A : memref<!tpu.dma_semaphore, #tpu.memory_space<semaphore_mem>>)
        %dma_wait3A = arith.constant 0 : i32
        %dma_wait3A_24 = arith.constant 0 : i32
        %dma_wait3A_25 = tpu.memref_slice %arg4[%arg0, %dma_wait3A, %dma_wait3A_24] : memref<2x10000x16xf32, #tpu.memory_space<hbm>> -> memref<1x10000x16xf32, #tpu.memory_space<hbm>>
        %dma_wait3A_26 = tpu.memref_squeeze %dma_wait3A_25 : memref<1x10000x16xf32, #tpu.memory_space<hbm>> -> memref<10000x16xf32, #tpu.memory_space<hbm>>
        tpu.wait_dma2 semaphore(%run_scoped3A : memref<!tpu.dma_semaphore, #tpu.memory_space<semaphore_mem>>) src(%arg7 : memref<10000x16xf32, #tpu.memory_space<vmem_shared>>) dst(%dma_wait3A_26 : memref<10000x16xf32, #tpu.memory_space<hbm>>)
        tpu.yield
      }) : () -> ()
    } else {
    }
    return
  }
}

#map = affine_map<(d0, d1) -> (0, 0)>
#map1 = affine_map<(d0, d1) -> (0)>
#map2 = affine_map<(d0, d1) -> (0, 0, 0)>
module attributes {stable_mosaic.version = 14 : i64} {
  func.func @k(%arg0: i32, %arg1: i32, %arg2: memref<10000x64xf32, #tpu.memory_space<hbm>>, %arg3: memref<320000xi32, #tpu.memory_space<hbm>>, %arg4: memref<320000xi32, #tpu.memory_space<hbm>>, %arg5: memref<10000x64xf32, #tpu.memory_space<hbm>>, %arg6: memref<2x10000x64xf32, #tpu.memory_space<hbm>>, %arg7: memref<80xi32, #tpu.memory_space<vmem>>, %arg8: memref<80xi32, #tpu.memory_space<vmem>>, %arg9: memref<80xi32, #tpu.memory_space<vmem>>, %arg10: memref<80xi32, #tpu.memory_space<vmem>>, %arg11: memref<80x64xf32, #tpu.memory_space<vmem>>, %arg12: memref<80x64xf32, #tpu.memory_space<vmem>>, %arg13: memref<10000x64xf32, #tpu.memory_space<vmem_shared>>, %arg14: memref<!tpu.dma_semaphore, #tpu.memory_space<semaphore_mem>>, %arg15: memref<!tpu.dma_semaphore, #tpu.memory_space<semaphore_mem>>, %arg16: memref<!tpu.dma_semaphore, #tpu.memory_space<semaphore_mem>>, %arg17: memref<!tpu.dma_semaphore, #tpu.memory_space<semaphore_mem>>) attributes {dimension_semantics = [#tpu.dimension_semantics<core_parallel>, #tpu.dimension_semantics<subcore_parallel>], iteration_bounds = array<i64: 2, 16>, scalar_prefetch = 0 : i64, scratch_operands = 11 : i64, tpu.core_type = #tpu.core_type<sc_vector_subcore>, window_params = [{transform_indices = #map}, {transform_indices = #map1}, {transform_indices = #map1}, {transform_indices = #map}, {transform_indices = #map2}]} {
    %eq3A = arith.constant 0 : i32
    %eq3A_0 = arith.cmpi eq, %arg1, %eq3A : i32
    %eq3A_1 = arith.constant 0 : i32
    %eq3A_2 = arith.cmpi eq, %arg0, %eq3A_1 : i32
    %and3A = arith.andi %eq3A_0, %eq3A_2 : i1
    %convert_element_type3A = arith.extui %and3A : i1 to i32
    %cond3A = arith.constant 0 : i32
    %cond3A_3 = arith.cmpi ne, %convert_element_type3A, %cond3A : i32
    scf.if %cond3A_3 {
      "tpu.region"() ({
        %run_scoped3A = tpu.sem_alloc : memref<!tpu.dma_semaphore, #tpu.memory_space<semaphore_mem>>
        tpu.enqueue_dma source(%arg2 : memref<10000x64xf32, #tpu.memory_space<hbm>>) target(%arg13 : memref<10000x64xf32, #tpu.memory_space<vmem_shared>>) target_semaphore(%run_scoped3A : memref<!tpu.dma_semaphore, #tpu.memory_space<semaphore_mem>>)
        tpu.wait_dma2 semaphore(%run_scoped3A : memref<!tpu.dma_semaphore, #tpu.memory_space<semaphore_mem>>) src(%arg2 : memref<10000x64xf32, #tpu.memory_space<hbm>>) dst(%arg13 : memref<10000x64xf32, #tpu.memory_space<vmem_shared>>)
        tpu.yield
      }) : () -> ()
    } else {
    }
    %eq3A_4 = arith.constant 0 : i32
    %eq3A_5 = arith.cmpi eq, %arg1, %eq3A_4 : i32
    %eq3A_6 = arith.constant 1 : i32
    %eq3A_7 = arith.cmpi eq, %arg0, %eq3A_6 : i32
    %and3A_8 = arith.andi %eq3A_5, %eq3A_7 : i1
    %convert_element_type3A_9 = arith.extui %and3A_8 : i1 to i32
    %cond3A_10 = arith.constant 0 : i32
    %cond3A_11 = arith.cmpi ne, %convert_element_type3A_9, %cond3A_10 : i32
    scf.if %cond3A_11 {
      "tpu.region"() ({
        %run_scoped3A = tpu.sem_alloc : memref<!tpu.dma_semaphore, #tpu.memory_space<semaphore_mem>>
        tpu.enqueue_dma source(%arg5 : memref<10000x64xf32, #tpu.memory_space<hbm>>) target(%arg13 : memref<10000x64xf32, #tpu.memory_space<vmem_shared>>) target_semaphore(%run_scoped3A : memref<!tpu.dma_semaphore, #tpu.memory_space<semaphore_mem>>)
        tpu.wait_dma2 semaphore(%run_scoped3A : memref<!tpu.dma_semaphore, #tpu.memory_space<semaphore_mem>>) src(%arg5 : memref<10000x64xf32, #tpu.memory_space<hbm>>) dst(%arg13 : memref<10000x64xf32, #tpu.memory_space<vmem_shared>>)
        tpu.yield
      }) : () -> ()
    } else {
    }
    %barrier3A = arith.constant 0 : index
    tpu.barrier barrier_id(%barrier3A)
    %mul3A = arith.constant 16 : i32
    %mul3A_12 = arith.muli %arg0, %mul3A : i32
    %add3A = arith.addi %mul3A_12, %arg1 : i32
    %mul3A_13 = arith.constant 10000 : i32
    %mul3A_14 = arith.muli %add3A, %mul3A_13 : i32
    %scan3A = arith.constant 0 : i32
    %scan3A_15 = arith.constant 125 : i32
    %scan3A_16 = arith.addi %scan3A, %scan3A_15 : i32
    %scan3A_17 = arith.constant 1 : i32
    scf.for %scan3A_25 = %scan3A to %scan3A_16 step %scan3A_17  : i32 {
      %mul3A_26 = arith.constant 1 : i32
      %mul3A_27 = arith.muli %scan3A_25, %mul3A_26 : i32
      %add3A_28 = arith.constant 0 : i32
      %add3A_29 = arith.addi %add3A_28, %mul3A_27 : i32
      %mul3A_30 = arith.constant 80 : i32
      %mul3A_31 = arith.muli %add3A_29, %mul3A_30 : i32
      %add3A_32 = arith.addi %mul3A_14, %mul3A_31 : i32
      "tpu.region"() ({
        %run_scoped3A = tpu.sem_alloc : memref<!tpu.dma_semaphore, #tpu.memory_space<semaphore_mem>>
        %dma_start3A_37 = tpu.memref_slice %arg3[%add3A_32] : memref<320000xi32, #tpu.memory_space<hbm>> -> memref<80xi32, #tpu.memory_space<hbm>>
        %dma_start3A_38 = tpu.memref_slice %arg3[%add3A_32] : memref<320000xi32, #tpu.memory_space<hbm>> -> memref<80xi32, #tpu.memory_space<hbm>>
        tpu.enqueue_dma source(%dma_start3A_38 : memref<80xi32, #tpu.memory_space<hbm>>) target(%arg7 : memref<80xi32, #tpu.memory_space<vmem>>) target_semaphore(%run_scoped3A : memref<!tpu.dma_semaphore, #tpu.memory_space<semaphore_mem>>)
        %dma_wait3A_39 = tpu.memref_slice %arg3[%add3A_32] : memref<320000xi32, #tpu.memory_space<hbm>> -> memref<80xi32, #tpu.memory_space<hbm>>
        %dma_wait3A_40 = tpu.memref_slice %arg3[%add3A_32] : memref<320000xi32, #tpu.memory_space<hbm>> -> memref<80xi32, #tpu.memory_space<hbm>>
        tpu.wait_dma2 semaphore(%run_scoped3A : memref<!tpu.dma_semaphore, #tpu.memory_space<semaphore_mem>>) src(%dma_wait3A_40 : memref<80xi32, #tpu.memory_space<hbm>>) dst(%arg7 : memref<80xi32, #tpu.memory_space<vmem>>)
        tpu.yield
      }) : () -> ()
      "tpu.region"() ({
        %run_scoped3A = tpu.sem_alloc : memref<!tpu.dma_semaphore, #tpu.memory_space<semaphore_mem>>
        %dma_start3A_37 = tpu.memref_slice %arg4[%add3A_32] : memref<320000xi32, #tpu.memory_space<hbm>> -> memref<80xi32, #tpu.memory_space<hbm>>
        %dma_start3A_38 = tpu.memref_slice %arg4[%add3A_32] : memref<320000xi32, #tpu.memory_space<hbm>> -> memref<80xi32, #tpu.memory_space<hbm>>
        tpu.enqueue_dma source(%dma_start3A_38 : memref<80xi32, #tpu.memory_space<hbm>>) target(%arg8 : memref<80xi32, #tpu.memory_space<vmem>>) target_semaphore(%run_scoped3A : memref<!tpu.dma_semaphore, #tpu.memory_space<semaphore_mem>>)
        %dma_wait3A_39 = tpu.memref_slice %arg4[%add3A_32] : memref<320000xi32, #tpu.memory_space<hbm>> -> memref<80xi32, #tpu.memory_space<hbm>>
        %dma_wait3A_40 = tpu.memref_slice %arg4[%add3A_32] : memref<320000xi32, #tpu.memory_space<hbm>> -> memref<80xi32, #tpu.memory_space<hbm>>
        tpu.wait_dma2 semaphore(%run_scoped3A : memref<!tpu.dma_semaphore, #tpu.memory_space<semaphore_mem>>) src(%dma_wait3A_40 : memref<80xi32, #tpu.memory_space<hbm>>) dst(%arg8 : memref<80xi32, #tpu.memory_space<vmem>>)
        tpu.yield
      }) : () -> ()
      %dma_start3A = arith.constant 0 : i32
      %dma_start3A_33 = arith.constant 0 : i32
      %dma_start3A_34 = tpu.memref_slice %arg2[%dma_start3A, %dma_start3A_33] : memref<10000x64xf32, #tpu.memory_space<hbm>> -> memref<10000x64xf32, #tpu.memory_space<hbm>>
      tpu.enqueue_indirect_dma source(%dma_start3A_34 : memref<10000x64xf32, #tpu.memory_space<hbm>>) target(%arg11 : memref<80x64xf32, #tpu.memory_space<vmem>>) offsets(%arg7 : memref<80xi32, #tpu.memory_space<vmem>>) semaphore(%arg14 : memref<!tpu.dma_semaphore, #tpu.memory_space<semaphore_mem>>)
      %dma_wait3A = arith.constant 0 : i32
      %dma_wait3A_35 = arith.constant 0 : i32
      %dma_wait3A_36 = tpu.memref_slice %arg2[%dma_wait3A, %dma_wait3A_35] : memref<10000x64xf32, #tpu.memory_space<hbm>> -> memref<10000x64xf32, #tpu.memory_space<hbm>>
      tpu.wait_indirect_dma semaphore(%arg14 : memref<!tpu.dma_semaphore, #tpu.memory_space<semaphore_mem>>) src(%dma_wait3A_36 : memref<10000x64xf32, #tpu.memory_space<hbm>>) dst(%arg11 : memref<80x64xf32, #tpu.memory_space<vmem>>)
      "tpu.region"() ({
        %run_scoped3A = tpu.sem_alloc : memref<!tpu.dma_semaphore, #tpu.memory_space<semaphore_mem>>
        %dma_start3A_37 = arith.constant 0 : i32
        %dma_start3A_38 = arith.constant 0 : i32
        %dma_start3A_39 = tpu.memref_slice %arg13[%dma_start3A_37, %dma_start3A_38] : memref<10000x64xf32, #tpu.memory_space<vmem_shared>> -> memref<10000x64xf32, #tpu.memory_space<vmem_shared>>
        tpu.enqueue_indirect_dma source(%arg11 : memref<80x64xf32, #tpu.memory_space<vmem>>) target(%dma_start3A_39 : memref<10000x64xf32, #tpu.memory_space<vmem_shared>>) offsets(%arg8 : memref<80xi32, #tpu.memory_space<vmem>>) semaphore(%run_scoped3A : memref<!tpu.dma_semaphore, #tpu.memory_space<semaphore_mem>>) {add = true}
        %dma_wait3A_40 = arith.constant 0 : i32
        %dma_wait3A_41 = arith.constant 0 : i32
        %dma_wait3A_42 = tpu.memref_slice %arg13[%dma_wait3A_40, %dma_wait3A_41] : memref<10000x64xf32, #tpu.memory_space<vmem_shared>> -> memref<10000x64xf32, #tpu.memory_space<vmem_shared>>
        tpu.wait_indirect_dma semaphore(%run_scoped3A : memref<!tpu.dma_semaphore, #tpu.memory_space<semaphore_mem>>) src(%arg11 : memref<80x64xf32, #tpu.memory_space<vmem>>) dst(%dma_wait3A_42 : memref<10000x64xf32, #tpu.memory_space<vmem_shared>>)
        tpu.yield
      }) : () -> ()
    }
    %scan3A_18 = arith.constant 125 : i32
    %barrier3A_19 = arith.constant 0 : index
    tpu.barrier barrier_id(%barrier3A_19)
    %eq3A_20 = arith.constant 0 : i32
    %eq3A_21 = arith.cmpi eq, %arg1, %eq3A_20 : i32
    %convert_element_type3A_22 = arith.extui %eq3A_21 : i1 to i32
    %cond3A_23 = arith.constant 0 : i32
    %cond3A_24 = arith.cmpi ne, %convert_element_type3A_22, %cond3A_23 : i32
    scf.if %cond3A_24 {
      "tpu.region"() ({
        %run_scoped3A = tpu.sem_alloc : memref<!tpu.dma_semaphore, #tpu.memory_space<semaphore_mem>>
        %dma_start3A = arith.constant 0 : i32
        %dma_start3A_25 = arith.constant 0 : i32
        %dma_start3A_26 = tpu.memref_slice %arg6[%arg0, %dma_start3A, %dma_start3A_25] : memref<2x10000x64xf32, #tpu.memory_space<hbm>> -> memref<1x10000x64xf32, #tpu.memory_space<hbm>>
        %dma_start3A_27 = tpu.memref_squeeze %dma_start3A_26 : memref<1x10000x64xf32, #tpu.memory_space<hbm>> -> memref<10000x64xf32, #tpu.memory_space<hbm>>
        tpu.enqueue_dma source(%arg13 : memref<10000x64xf32, #tpu.memory_space<vmem_shared>>) target(%dma_start3A_27 : memref<10000x64xf32, #tpu.memory_space<hbm>>) target_semaphore(%run_scoped3A : memref<!tpu.dma_semaphore, #tpu.memory_space<semaphore_mem>>)
        %dma_wait3A = arith.constant 0 : i32
        %dma_wait3A_28 = arith.constant 0 : i32
        %dma_wait3A_29 = tpu.memref_slice %arg6[%arg0, %dma_wait3A, %dma_wait3A_28] : memref<2x10000x64xf32, #tpu.memory_space<hbm>> -> memref<1x10000x64xf32, #tpu.memory_space<hbm>>
        %dma_wait3A_30 = tpu.memref_squeeze %dma_wait3A_29 : memref<1x10000x64xf32, #tpu.memory_space<hbm>> -> memref<10000x64xf32, #tpu.memory_space<hbm>>
        tpu.wait_dma2 semaphore(%run_scoped3A : memref<!tpu.dma_semaphore, #tpu.memory_space<semaphore_mem>>) src(%arg13 : memref<10000x64xf32, #tpu.memory_space<vmem_shared>>) dst(%dma_wait3A_30 : memref<10000x64xf32, #tpu.memory_space<hbm>>)
        tpu.yield
      }) : () -> ()
    } else {
    }
    return
  }
}

#map = affine_map<(d0, d1) -> (0, 0)>
#map1 = affine_map<(d0, d1) -> (0)>
#map2 = affine_map<(d0, d1) -> (0, 0, 0)>
module attributes {stable_mosaic.version = 14 : i64} {
  func.func @k(%arg0: i32, %arg1: i32, %arg2: memref<20000x144xf32, #tpu.memory_space<hbm>>, %arg3: memref<20000x16xf32, #tpu.memory_space<hbm>>, %arg4: memref<320000xi32, #tpu.memory_space<hbm>>, %arg5: memref<320000xi32, #tpu.memory_space<hbm>>, %arg6: memref<10000x144xf32, #tpu.memory_space<hbm>>, %arg7: memref<2x10000x144xf32, #tpu.memory_space<hbm>>, %arg8: memref<80xi32, #tpu.memory_space<vmem>>, %arg9: memref<80xi32, #tpu.memory_space<vmem>>, %arg10: memref<80xi32, #tpu.memory_space<vmem>>, %arg11: memref<80x144xf32, #tpu.memory_space<vmem>>, %arg12: memref<80x144xf32, #tpu.memory_space<vmem>>, %arg13: memref<80x16xf32, #tpu.memory_space<vmem>>, %arg14: memref<10000x144xf32, #tpu.memory_space<vmem_shared>>, %arg15: memref<!tpu.dma_semaphore, #tpu.memory_space<semaphore_mem>>) attributes {dimension_semantics = [#tpu.dimension_semantics<core_parallel>, #tpu.dimension_semantics<subcore_parallel>], iteration_bounds = array<i64: 2, 16>, scalar_prefetch = 0 : i64, scratch_operands = 8 : i64, tpu.core_type = #tpu.core_type<sc_vector_subcore>, window_params = [{transform_indices = #map}, {transform_indices = #map}, {transform_indices = #map1}, {transform_indices = #map1}, {transform_indices = #map}, {transform_indices = #map2}]} {
    %eq3A = arith.constant 0 : i32
    %eq3A_0 = arith.cmpi eq, %arg1, %eq3A : i32
    %convert_element_type3A = arith.extui %eq3A_0 : i1 to i32
    %cond3A = arith.constant 0 : i32
    %cond3A_1 = arith.cmpi ne, %convert_element_type3A, %cond3A : i32
    scf.if %cond3A_1 {
      "tpu.region"() ({
        %run_scoped3A = tpu.sem_alloc : memref<!tpu.dma_semaphore, #tpu.memory_space<semaphore_mem>>
        tpu.enqueue_dma source(%arg6 : memref<10000x144xf32, #tpu.memory_space<hbm>>) target(%arg14 : memref<10000x144xf32, #tpu.memory_space<vmem_shared>>) target_semaphore(%run_scoped3A : memref<!tpu.dma_semaphore, #tpu.memory_space<semaphore_mem>>)
        tpu.wait_dma2 semaphore(%run_scoped3A : memref<!tpu.dma_semaphore, #tpu.memory_space<semaphore_mem>>) src(%arg6 : memref<10000x144xf32, #tpu.memory_space<hbm>>) dst(%arg14 : memref<10000x144xf32, #tpu.memory_space<vmem_shared>>)
        tpu.yield
      }) : () -> ()
    } else {
    }
    %barrier3A = arith.constant 0 : index
    tpu.barrier barrier_id(%barrier3A)
    %mul3A = arith.constant 10000 : i32
    %mul3A_2 = arith.muli %arg0, %mul3A : i32
    %broadcast_in_dim3A = vector.broadcast %mul3A_2 : i32 to vector<16xi32>
    %iota3A = tpu.iota {dimensions = array<i32: 0>} : vector<16xi32>
    %lt3A = arith.constant 2 : i32
    %lt3A_3 = vector.broadcast %lt3A : i32 to vector<16xi32>
    %lt3A_4 = arith.cmpi slt, %iota3A, %lt3A_3 : vector<16xi32>
    %broadcast_in_dim3A_5 = arith.constant 0.000000e+00 : f32
    %broadcast_in_dim3A_6 = vector.broadcast %broadcast_in_dim3A_5 : f32 to vector<16xf32>
    %mul3A_7 = arith.constant 20000 : i32
    %mul3A_8 = arith.muli %arg1, %mul3A_7 : i32
    %scan3A = arith.constant 0 : i32
    %scan3A_9 = arith.constant 250 : i32
    %scan3A_10 = arith.addi %scan3A, %scan3A_9 : i32
    %scan3A_11 = arith.constant 1 : i32
    scf.for %scan3A_19 = %scan3A to %scan3A_10 step %scan3A_11  : i32 {
      %mul3A_20 = arith.constant 1 : i32
      %mul3A_21 = arith.muli %scan3A_19, %mul3A_20 : i32
      %add3A = arith.constant 0 : i32
      %add3A_22 = arith.addi %add3A, %mul3A_21 : i32
      %mul3A_23 = arith.constant 80 : i32
      %mul3A_24 = arith.muli %add3A_22, %mul3A_23 : i32
      %add3A_25 = arith.addi %mul3A_8, %mul3A_24 : i32
      "tpu.region"() ({
        %run_scoped3A = tpu.sem_alloc : memref<!tpu.dma_semaphore, #tpu.memory_space<semaphore_mem>>
        %dma_start3A_46 = tpu.memref_slice %arg4[%add3A_25] : memref<320000xi32, #tpu.memory_space<hbm>> -> memref<80xi32, #tpu.memory_space<hbm>>
        %dma_start3A_47 = tpu.memref_slice %arg4[%add3A_25] : memref<320000xi32, #tpu.memory_space<hbm>> -> memref<80xi32, #tpu.memory_space<hbm>>
        tpu.enqueue_dma source(%dma_start3A_47 : memref<80xi32, #tpu.memory_space<hbm>>) target(%arg8 : memref<80xi32, #tpu.memory_space<vmem>>) target_semaphore(%run_scoped3A : memref<!tpu.dma_semaphore, #tpu.memory_space<semaphore_mem>>)
        %dma_wait3A_48 = tpu.memref_slice %arg4[%add3A_25] : memref<320000xi32, #tpu.memory_space<hbm>> -> memref<80xi32, #tpu.memory_space<hbm>>
        %dma_wait3A_49 = tpu.memref_slice %arg4[%add3A_25] : memref<320000xi32, #tpu.memory_space<hbm>> -> memref<80xi32, #tpu.memory_space<hbm>>
        tpu.wait_dma2 semaphore(%run_scoped3A : memref<!tpu.dma_semaphore, #tpu.memory_space<semaphore_mem>>) src(%dma_wait3A_49 : memref<80xi32, #tpu.memory_space<hbm>>) dst(%arg8 : memref<80xi32, #tpu.memory_space<vmem>>)
        tpu.yield
      }) : () -> ()
      "tpu.region"() ({
        %run_scoped3A = tpu.sem_alloc : memref<!tpu.dma_semaphore, #tpu.memory_space<semaphore_mem>>
        %dma_start3A_46 = tpu.memref_slice %arg5[%add3A_25] : memref<320000xi32, #tpu.memory_space<hbm>> -> memref<80xi32, #tpu.memory_space<hbm>>
        %dma_start3A_47 = tpu.memref_slice %arg5[%add3A_25] : memref<320000xi32, #tpu.memory_space<hbm>> -> memref<80xi32, #tpu.memory_space<hbm>>
        tpu.enqueue_dma source(%dma_start3A_47 : memref<80xi32, #tpu.memory_space<hbm>>) target(%arg9 : memref<80xi32, #tpu.memory_space<vmem>>) target_semaphore(%run_scoped3A : memref<!tpu.dma_semaphore, #tpu.memory_space<semaphore_mem>>)
        %dma_wait3A_48 = tpu.memref_slice %arg5[%add3A_25] : memref<320000xi32, #tpu.memory_space<hbm>> -> memref<80xi32, #tpu.memory_space<hbm>>
        %dma_wait3A_49 = tpu.memref_slice %arg5[%add3A_25] : memref<320000xi32, #tpu.memory_space<hbm>> -> memref<80xi32, #tpu.memory_space<hbm>>
        tpu.wait_dma2 semaphore(%run_scoped3A : memref<!tpu.dma_semaphore, #tpu.memory_space<semaphore_mem>>) src(%dma_wait3A_49 : memref<80xi32, #tpu.memory_space<hbm>>) dst(%arg9 : memref<80xi32, #tpu.memory_space<vmem>>)
        tpu.yield
      }) : () -> ()
      %scan3A_26 = arith.constant 0 : i32
      %scan3A_27 = arith.constant 5 : i32
      %scan3A_28 = arith.addi %scan3A_26, %scan3A_27 : i32
      %scan3A_29 = arith.constant 1 : i32
      scf.for %scan3A_46 = %scan3A_26 to %scan3A_28 step %scan3A_29  : i32 {
        %mul3A_47 = arith.constant 1 : i32
        %mul3A_48 = arith.muli %scan3A_46, %mul3A_47 : i32
        %add3A_49 = arith.constant 0 : i32
        %add3A_50 = arith.addi %add3A_49, %mul3A_48 : i32
        %mul3A_51 = arith.constant 16 : i32
        %mul3A_52 = arith.muli %add3A_50, %mul3A_51 : i32
        %get3A = arith.index_cast %mul3A_52 : i32 to index
        %get3A_53 = tpu.vector_load %arg9[%get3A] {strides = array<i32>} : memref<80xi32, #tpu.memory_space<vmem>>, vector<16xi32>,
        %swap3A = arith.index_cast %mul3A_52 : i32 to index
        %swap3A_54 = tpu.vector_load %arg10[%swap3A] {strides = array<i32>} : memref<80xi32, #tpu.memory_space<vmem>>, vector<16xi32>,
        tpu.vector_store %arg10[%swap3A], %get3A_53 {strides = array<i32>} : memref<80xi32, #tpu.memory_space<vmem>>, vector<16xi32>,
        %get3A_55 = arith.index_cast %mul3A_52 : i32 to index
        %get3A_56 = tpu.vector_load %arg8[%get3A_55] {strides = array<i32>} : memref<80xi32, #tpu.memory_space<vmem>>, vector<16xi32>,
        %add3A_57 = arith.addi %get3A_56, %broadcast_in_dim3A : vector<16xi32>
        %swap3A_58 = arith.index_cast %mul3A_52 : i32 to index
        %swap3A_59 = tpu.vector_load %arg8[%swap3A_58] {strides = array<i32>} : memref<80xi32, #tpu.memory_space<vmem>>, vector<16xi32>,
        tpu.vector_store %arg8[%swap3A_58], %add3A_57 {strides = array<i32>} : memref<80xi32, #tpu.memory_space<vmem>>, vector<16xi32>,
        %get3A_60 = arith.index_cast %mul3A_52 : i32 to index
        %get3A_61 = tpu.vector_load %arg9[%get3A_60] {strides = array<i32>} : memref<80xi32, #tpu.memory_space<vmem>>, vector<16xi32>,
        %add3A_62 = arith.addi %get3A_61, %broadcast_in_dim3A : vector<16xi32>
        %swap3A_63 = arith.index_cast %mul3A_52 : i32 to index
        %swap3A_64 = tpu.vector_load %arg9[%swap3A_63] {strides = array<i32>} : memref<80xi32, #tpu.memory_space<vmem>>, vector<16xi32>,
        tpu.vector_store %arg9[%swap3A_63], %add3A_62 {strides = array<i32>} : memref<80xi32, #tpu.memory_space<vmem>>, vector<16xi32>,
      }
      %scan3A_30 = arith.constant 5 : i32
      %dma_start3A = arith.constant 0 : i32
      %dma_start3A_31 = arith.constant 0 : i32
      %dma_start3A_32 = tpu.memref_slice %arg2[%dma_start3A, %dma_start3A_31] : memref<20000x144xf32, #tpu.memory_space<hbm>> -> memref<20000x144xf32, #tpu.memory_space<hbm>>
      tpu.enqueue_indirect_dma source(%dma_start3A_32 : memref<20000x144xf32, #tpu.memory_space<hbm>>) target(%arg11 : memref<80x144xf32, #tpu.memory_space<vmem>>) offsets(%arg8 : memref<80xi32, #tpu.memory_space<vmem>>) semaphore(%arg15 : memref<!tpu.dma_semaphore, #tpu.memory_space<semaphore_mem>>)
      %dma_wait3A = arith.constant 0 : i32
      %dma_wait3A_33 = arith.constant 0 : i32
      %dma_wait3A_34 = tpu.memref_slice %arg2[%dma_wait3A, %dma_wait3A_33] : memref<20000x144xf32, #tpu.memory_space<hbm>> -> memref<20000x144xf32, #tpu.memory_space<hbm>>
      tpu.wait_indirect_dma semaphore(%arg15 : memref<!tpu.dma_semaphore, #tpu.memory_space<semaphore_mem>>) src(%dma_wait3A_34 : memref<20000x144xf32, #tpu.memory_space<hbm>>) dst(%arg11 : memref<80x144xf32, #tpu.memory_space<vmem>>)
      %dma_start3A_35 = arith.constant 0 : i32
      %dma_start3A_36 = arith.constant 0 : i32
      %dma_start3A_37 = tpu.memref_slice %arg3[%dma_start3A_35, %dma_start3A_36] : memref<20000x16xf32, #tpu.memory_space<hbm>> -> memref<20000x16xf32, #tpu.memory_space<hbm>>
      tpu.enqueue_indirect_dma source(%dma_start3A_37 : memref<20000x16xf32, #tpu.memory_space<hbm>>) target(%arg13 : memref<80x16xf32, #tpu.memory_space<vmem>>) offsets(%arg9 : memref<80xi32, #tpu.memory_space<vmem>>) semaphore(%arg15 : memref<!tpu.dma_semaphore, #tpu.memory_space<semaphore_mem>>)
      %dma_wait3A_38 = arith.constant 0 : i32
      %dma_wait3A_39 = arith.constant 0 : i32
      %dma_wait3A_40 = tpu.memref_slice %arg3[%dma_wait3A_38, %dma_wait3A_39] : memref<20000x16xf32, #tpu.memory_space<hbm>> -> memref<20000x16xf32, #tpu.memory_space<hbm>>
      tpu.wait_indirect_dma semaphore(%arg15 : memref<!tpu.dma_semaphore, #tpu.memory_space<semaphore_mem>>) src(%dma_wait3A_40 : memref<20000x16xf32, #tpu.memory_space<hbm>>) dst(%arg13 : memref<80x16xf32, #tpu.memory_space<vmem>>)
      %scan3A_41 = arith.constant 0 : i32
      %scan3A_42 = arith.constant 80 : i32
      %scan3A_43 = arith.addi %scan3A_41, %scan3A_42 : i32
      %scan3A_44 = arith.constant 1 : i32
      scf.for %scan3A_46 = %scan3A_41 to %scan3A_43 step %scan3A_44  : i32 {
        %mul3A_47 = arith.constant 1 : i32
        %mul3A_48 = arith.muli %scan3A_46, %mul3A_47 : i32
        %add3A_49 = arith.constant 0 : i32
        %add3A_50 = arith.addi %add3A_49, %mul3A_48 : i32
        %get3A = arith.index_cast %add3A_50 : i32 to index
        %get3A_51 = arith.constant 128 : index
        %get3A_52 = tpu.vector_load %arg11[%get3A, %get3A_51] {strides = array<i32>} : memref<80x144xf32, #tpu.memory_space<vmem>>, vector<16xf32>,
        %get3A_53 = arith.index_cast %add3A_50 : i32 to index
        %get3A_54 = arith.constant 0 : index
        %get3A_55 = tpu.vector_load %arg13[%get3A_53, %get3A_54] {strides = array<i32>} : memref<80x16xf32, #tpu.memory_space<vmem>>, vector<16xf32>,
        %add3A_56 = arith.addf %get3A_52, %get3A_55 : vector<16xf32>
        %mul3A_57 = arith.constant 2.000000e-01 : f32
        %mul3A_58 = vector.broadcast %mul3A_57 : f32 to vector<16xf32>
        %mul3A_59 = arith.mulf %mul3A_58, %add3A_56 : vector<16xf32>
        %max3A = arith.maximumf %add3A_56, %mul3A_59 : vector<16xf32>
        %exp3A = math.exp %max3A : vector<16xf32>
        %select_n3A = arith.select %lt3A_4, %exp3A, %broadcast_in_dim3A_6 : vector<16xi1>, vector<16xf32>
        %swap3A = arith.index_cast %add3A_50 : i32 to index
        %swap3A_60 = arith.constant 128 : index
        %swap3A_61 = tpu.vector_load %arg12[%swap3A, %swap3A_60] {strides = array<i32>} : memref<80x144xf32, #tpu.memory_space<vmem>>, vector<16xf32>,
        tpu.vector_store %arg12[%swap3A, %swap3A_60], %select_n3A {strides = array<i32>} : memref<80x144xf32, #tpu.memory_space<vmem>>, vector<16xf32>,
        %broadcast_in_dim3A_62 = vector.broadcast %add3A_50 : i32 to vector<16xi32>
        %broadcast_in_dim3A_63 = arith.constant 128 : i32
        %broadcast_in_dim3A_64 = vector.broadcast %broadcast_in_dim3A_63 : i32 to vector<16xi32>
        %gather3A = tpu.vector_load_idx %arg12[%broadcast_in_dim3A_62, %broadcast_in_dim3A_64] : memref<80x144xf32, #tpu.memory_space<vmem>>[vector<16xi32>, vector<16xi32>], vector<16xf32>,
        %broadcast_in_dim3A_65 = arith.constant 129 : i32
        %broadcast_in_dim3A_66 = vector.broadcast %broadcast_in_dim3A_65 : i32 to vector<16xi32>
        %gather3A_67 = tpu.vector_load_idx %arg12[%broadcast_in_dim3A_62, %broadcast_in_dim3A_66] : memref<80x144xf32, #tpu.memory_space<vmem>>[vector<16xi32>, vector<16xi32>], vector<16xf32>,
        %get3A_68 = arith.index_cast %add3A_50 : i32 to index
        %get3A_69 = arith.constant 0 : index
        %get3A_70 = tpu.vector_load %arg11[%get3A_68, %get3A_69] {strides = array<i32>} : memref<80x144xf32, #tpu.memory_space<vmem>>, vector<16xf32>,
        %mul3A_71 = arith.mulf %get3A_70, %gather3A : vector<16xf32>
        %swap3A_72 = arith.index_cast %add3A_50 : i32 to index
        %swap3A_73 = arith.constant 0 : index
        %swap3A_74 = tpu.vector_load %arg12[%swap3A_72, %swap3A_73] {strides = array<i32>} : memref<80x144xf32, #tpu.memory_space<vmem>>, vector<16xf32>,
        tpu.vector_store %arg12[%swap3A_72, %swap3A_73], %mul3A_71 {strides = array<i32>} : memref<80x144xf32, #tpu.memory_space<vmem>>, vector<16xf32>,
        %get3A_75 = arith.index_cast %add3A_50 : i32 to index
        %get3A_76 = arith.constant 16 : index
        %get3A_77 = tpu.vector_load %arg11[%get3A_75, %get3A_76] {strides = array<i32>} : memref<80x144xf32, #tpu.memory_space<vmem>>, vector<16xf32>,
        %mul3A_78 = arith.mulf %get3A_77, %gather3A : vector<16xf32>
        %swap3A_79 = arith.index_cast %add3A_50 : i32 to index
        %swap3A_80 = arith.constant 16 : index
        %swap3A_81 = tpu.vector_load %arg12[%swap3A_79, %swap3A_80] {strides = array<i32>} : memref<80x144xf32, #tpu.memory_space<vmem>>, vector<16xf32>,
        tpu.vector_store %arg12[%swap3A_79, %swap3A_80], %mul3A_78 {strides = array<i32>} : memref<80x144xf32, #tpu.memory_space<vmem>>, vector<16xf32>,
        %get3A_82 = arith.index_cast %add3A_50 : i32 to index
        %get3A_83 = arith.constant 32 : index
        %get3A_84 = tpu.vector_load %arg11[%get3A_82, %get3A_83] {strides = array<i32>} : memref<80x144xf32, #tpu.memory_space<vmem>>, vector<16xf32>,
        %mul3A_85 = arith.mulf %get3A_84, %gather3A : vector<16xf32>
        %swap3A_86 = arith.index_cast %add3A_50 : i32 to index
        %swap3A_87 = arith.constant 32 : index
        %swap3A_88 = tpu.vector_load %arg12[%swap3A_86, %swap3A_87] {strides = array<i32>} : memref<80x144xf32, #tpu.memory_space<vmem>>, vector<16xf32>,
        tpu.vector_store %arg12[%swap3A_86, %swap3A_87], %mul3A_85 {strides = array<i32>} : memref<80x144xf32, #tpu.memory_space<vmem>>, vector<16xf32>,
        %get3A_89 = arith.index_cast %add3A_50 : i32 to index
        %get3A_90 = arith.constant 48 : index
        %get3A_91 = tpu.vector_load %arg11[%get3A_89, %get3A_90] {strides = array<i32>} : memref<80x144xf32, #tpu.memory_space<vmem>>, vector<16xf32>,
        %mul3A_92 = arith.mulf %get3A_91, %gather3A : vector<16xf32>
        %swap3A_93 = arith.index_cast %add3A_50 : i32 to index
        %swap3A_94 = arith.constant 48 : index
        %swap3A_95 = tpu.vector_load %arg12[%swap3A_93, %swap3A_94] {strides = array<i32>} : memref<80x144xf32, #tpu.memory_space<vmem>>, vector<16xf32>,
        tpu.vector_store %arg12[%swap3A_93, %swap3A_94], %mul3A_92 {strides = array<i32>} : memref<80x144xf32, #tpu.memory_space<vmem>>, vector<16xf32>,
        %get3A_96 = arith.index_cast %add3A_50 : i32 to index
        %get3A_97 = arith.constant 64 : index
        %get3A_98 = tpu.vector_load %arg11[%get3A_96, %get3A_97] {strides = array<i32>} : memref<80x144xf32, #tpu.memory_space<vmem>>, vector<16xf32>,
        %mul3A_99 = arith.mulf %get3A_98, %gather3A_67 : vector<16xf32>
        %swap3A_100 = arith.index_cast %add3A_50 : i32 to index
        %swap3A_101 = arith.constant 64 : index
        %swap3A_102 = tpu.vector_load %arg12[%swap3A_100, %swap3A_101] {strides = array<i32>} : memref<80x144xf32, #tpu.memory_space<vmem>>, vector<16xf32>,
        tpu.vector_store %arg12[%swap3A_100, %swap3A_101], %mul3A_99 {strides = array<i32>} : memref<80x144xf32, #tpu.memory_space<vmem>>, vector<16xf32>,
        %get3A_103 = arith.index_cast %add3A_50 : i32 to index
        %get3A_104 = arith.constant 80 : index
        %get3A_105 = tpu.vector_load %arg11[%get3A_103, %get3A_104] {strides = array<i32>} : memref<80x144xf32, #tpu.memory_space<vmem>>, vector<16xf32>,
        %mul3A_106 = arith.mulf %get3A_105, %gather3A_67 : vector<16xf32>
        %swap3A_107 = arith.index_cast %add3A_50 : i32 to index
        %swap3A_108 = arith.constant 80 : index
        %swap3A_109 = tpu.vector_load %arg12[%swap3A_107, %swap3A_108] {strides = array<i32>} : memref<80x144xf32, #tpu.memory_space<vmem>>, vector<16xf32>,
        tpu.vector_store %arg12[%swap3A_107, %swap3A_108], %mul3A_106 {strides = array<i32>} : memref<80x144xf32, #tpu.memory_space<vmem>>, vector<16xf32>,
        %get3A_110 = arith.index_cast %add3A_50 : i32 to index
        %get3A_111 = arith.constant 96 : index
        %get3A_112 = tpu.vector_load %arg11[%get3A_110, %get3A_111] {strides = array<i32>} : memref<80x144xf32, #tpu.memory_space<vmem>>, vector<16xf32>,
        %mul3A_113 = arith.mulf %get3A_112, %gather3A_67 : vector<16xf32>
        %swap3A_114 = arith.index_cast %add3A_50 : i32 to index
        %swap3A_115 = arith.constant 96 : index
        %swap3A_116 = tpu.vector_load %arg12[%swap3A_114, %swap3A_115] {strides = array<i32>} : memref<80x144xf32, #tpu.memory_space<vmem>>, vector<16xf32>,
        tpu.vector_store %arg12[%swap3A_114, %swap3A_115], %mul3A_113 {strides = array<i32>} : memref<80x144xf32, #tpu.memory_space<vmem>>, vector<16xf32>,
        %get3A_117 = arith.index_cast %add3A_50 : i32 to index
        %get3A_118 = arith.constant 112 : index
        %get3A_119 = tpu.vector_load %arg11[%get3A_117, %get3A_118] {strides = array<i32>} : memref<80x144xf32, #tpu.memory_space<vmem>>, vector<16xf32>,
        %mul3A_120 = arith.mulf %get3A_119, %gather3A_67 : vector<16xf32>
        %swap3A_121 = arith.index_cast %add3A_50 : i32 to index
        %swap3A_122 = arith.constant 112 : index
        %swap3A_123 = tpu.vector_load %arg12[%swap3A_121, %swap3A_122] {strides = array<i32>} : memref<80x144xf32, #tpu.memory_space<vmem>>, vector<16xf32>,
        tpu.vector_store %arg12[%swap3A_121, %swap3A_122], %mul3A_120 {strides = array<i32>} : memref<80x144xf32, #tpu.memory_space<vmem>>, vector<16xf32>,
      }
      %scan3A_45 = arith.constant 80 : i32
      "tpu.region"() ({
        %run_scoped3A = tpu.sem_alloc : memref<!tpu.dma_semaphore, #tpu.memory_space<semaphore_mem>>
        %dma_start3A_46 = arith.constant 0 : i32
        %dma_start3A_47 = arith.constant 0 : i32
        %dma_start3A_48 = tpu.memref_slice %arg14[%dma_start3A_46, %dma_start3A_47] : memref<10000x144xf32, #tpu.memory_space<vmem_shared>> -> memref<10000x144xf32, #tpu.memory_space<vmem_shared>>
        tpu.enqueue_indirect_dma source(%arg12 : memref<80x144xf32, #tpu.memory_space<vmem>>) target(%dma_start3A_48 : memref<10000x144xf32, #tpu.memory_space<vmem_shared>>) offsets(%arg10 : memref<80xi32, #tpu.memory_space<vmem>>) semaphore(%run_scoped3A : memref<!tpu.dma_semaphore, #tpu.memory_space<semaphore_mem>>) {add = true}
        %dma_wait3A_49 = arith.constant 0 : i32
        %dma_wait3A_50 = arith.constant 0 : i32
        %dma_wait3A_51 = tpu.memref_slice %arg14[%dma_wait3A_49, %dma_wait3A_50] : memref<10000x144xf32, #tpu.memory_space<vmem_shared>> -> memref<10000x144xf32, #tpu.memory_space<vmem_shared>>
        tpu.wait_indirect_dma semaphore(%run_scoped3A : memref<!tpu.dma_semaphore, #tpu.memory_space<semaphore_mem>>) src(%arg12 : memref<80x144xf32, #tpu.memory_space<vmem>>) dst(%dma_wait3A_51 : memref<10000x144xf32, #tpu.memory_space<vmem_shared>>)
        tpu.yield
      }) : () -> ()
    }
    %scan3A_12 = arith.constant 250 : i32
    %barrier3A_13 = arith.constant 0 : index
    tpu.barrier barrier_id(%barrier3A_13)
    %eq3A_14 = arith.constant 0 : i32
    %eq3A_15 = arith.cmpi eq, %arg1, %eq3A_14 : i32
    %convert_element_type3A_16 = arith.extui %eq3A_15 : i1 to i32
    %cond3A_17 = arith.constant 0 : i32
    %cond3A_18 = arith.cmpi ne, %convert_element_type3A_16, %cond3A_17 : i32
    scf.if %cond3A_18 {
      "tpu.region"() ({
        %run_scoped3A = tpu.sem_alloc : memref<!tpu.dma_semaphore, #tpu.memory_space<semaphore_mem>>
        %dma_start3A = arith.constant 0 : i32
        %dma_start3A_19 = arith.constant 0 : i32
        %dma_start3A_20 = tpu.memref_slice %arg7[%arg0, %dma_start3A, %dma_start3A_19] : memref<2x10000x144xf32, #tpu.memory_space<hbm>> -> memref<1x10000x144xf32, #tpu.memory_space<hbm>>
        %dma_start3A_21 = tpu.memref_squeeze %dma_start3A_20 : memref<1x10000x144xf32, #tpu.memory_space<hbm>> -> memref<10000x144xf32, #tpu.memory_space<hbm>>
        tpu.enqueue_dma source(%arg14 : memref<10000x144xf32, #tpu.memory_space<vmem_shared>>) target(%dma_start3A_21 : memref<10000x144xf32, #tpu.memory_space<hbm>>) target_semaphore(%run_scoped3A : memref<!tpu.dma_semaphore, #tpu.memory_space<semaphore_mem>>)
        %dma_wait3A = arith.constant 0 : i32
        %dma_wait3A_22 = arith.constant 0 : i32
        %dma_wait3A_23 = tpu.memref_slice %arg7[%arg0, %dma_wait3A, %dma_wait3A_22] : memref<2x10000x144xf32, #tpu.memory_space<hbm>> -> memref<1x10000x144xf32, #tpu.memory_space<hbm>>
        %dma_wait3A_24 = tpu.memref_squeeze %dma_wait3A_23 : memref<1x10000x144xf32, #tpu.memory_space<hbm>> -> memref<10000x144xf32, #tpu.memory_space<hbm>>
        tpu.wait_dma2 semaphore(%run_scoped3A : memref<!tpu.dma_semaphore, #tpu.memory_space<semaphore_mem>>) src(%arg14 : memref<10000x144xf32, #tpu.memory_space<vmem_shared>>) dst(%dma_wait3A_24 : memref<10000x144xf32, #tpu.memory_space<hbm>>)
        tpu.yield
      }) : () -> ()
    } else {
    }
    return
  }
}

module attributes {stable_mosaic.version = 14 : i64} {
  func.func @_mm_kernel(%arg0: i32, %arg1: memref<1000x128xf32, #tpu.memory_space<vmem>>, %arg2: memref<128x64xf32, #tpu.memory_space<vmem>>, %arg3: memref<1000x64xf32, #tpu.memory_space<vmem>>) attributes {dimension_semantics = [#tpu.dimension_semantics<arbitrary>], iteration_bounds = array<i64: 10>, scalar_prefetch = 0 : i64, scratch_operands = 0 : i64, tpu.core_type = #tpu.core_type<tc>, window_params = [{transform_indices = @transform_0, window_bounds = array<i64: 1000, 128>}, {pipeline_mode = #tpu.pipeline_mode<synchronous>, transform_indices = @transform_1, window_bounds = array<i64: 128, 64>}, {transform_indices = @transform_2, window_bounds = array<i64: 1000, 64>}]} {
    %get3A = arith.constant 0 : index
    %get3A_0 = arith.constant 0 : index
    %get3A_1 = vector.load %arg1[%get3A, %get3A_0] : memref<1000x128xf32, #tpu.memory_space<vmem>>, vector<1000x128xf32>
    %get3A_2 = arith.constant 0 : index
    %get3A_3 = arith.constant 0 : index
    %get3A_4 = vector.load %arg2[%get3A_2, %get3A_3] : memref<128x64xf32, #tpu.memory_space<vmem>>, vector<128x64xf32>
    %dot_general3A = arith.constant dense<0.000000e+00> : vector<1000x64xf32>
    %dot_general3A_5 = tpu.matmul %get3A_1, %get3A_4, %dot_general3A {dimension_numbers = #tpu.dot_dimension_numbers<[1], [0], [0], [1], [0, 0, 1, 1], [], []>, precision = #tpu.contract_precision<fp32>, transpose_lhs_hint = false} : vector<1000x128xf32>, vector<128x64xf32>, vector<1000x64xf32> -> vector<1000x64xf32>
    %swap3A = arith.constant 0 : index
    %swap3A_6 = arith.constant 0 : index
    %swap3A_7 = vector.load %arg3[%swap3A, %swap3A_6] : memref<1000x64xf32, #tpu.memory_space<vmem>>, vector<1000x64xf32>
    tpu.vector_store %arg3[%swap3A, %swap3A_6], %dot_general3A_5 {strides = array<i32>} : memref<1000x64xf32, #tpu.memory_space<vmem>>, vector<1000x64xf32>,
    return
  }
  func.func @transform_0(%arg0: i32) -> (i32, i32) {
    %c0_i32 = arith.constant 0 : i32
    %c0_i32_0 = arith.constant 0 : i32
    return %arg0, %c0_i32 : i32, i32
  }
  func.func @transform_1(%arg0: i32) -> (i32, i32) {
    %c0_i32 = arith.constant 0 : i32
    %c0_i32_0 = arith.constant 0 : i32
    %c0_i32_1 = arith.constant 0 : i32
    return %c0_i32, %c0_i32_0 : i32, i32
  }
  func.func @transform_2(%arg0: i32) -> (i32, i32) {
    %c0_i32 = arith.constant 0 : i32
    %c0_i32_0 = arith.constant 0 : i32
    return %arg0, %c0_i32 : i32, i32
  }
}

module attributes {stable_mosaic.version = 14 : i64} {
  func.func @_degsum_kernel(%arg0: i32, %arg1: memref<2x10000x16xf32, #tpu.memory_space<vmem>>, %arg2: memref<10000x1xf32, #tpu.memory_space<vmem>>) attributes {dimension_semantics = [#tpu.dimension_semantics<arbitrary>], iteration_bounds = array<i64: 1>, scalar_prefetch = 0 : i64, scratch_operands = 0 : i64, tpu.core_type = #tpu.core_type<tc>, window_params = [{pipeline_mode = #tpu.pipeline_mode<synchronous>, transform_indices = @transform_0, window_bounds = array<i64: 2, 10000, 16>}, {pipeline_mode = #tpu.pipeline_mode<synchronous>, transform_indices = @transform_1, window_bounds = array<i64: 10000, 1>}]} {
    %get3A = arith.constant 0 : index
    %get3A_0 = arith.constant 0 : index
    %get3A_1 = arith.constant 0 : index
    %get3A_2 = vector.load %arg1[%get3A, %get3A_0, %get3A_1] : memref<2x10000x16xf32, #tpu.memory_space<vmem>>, vector<2x10000x16xf32>
    %slice3A = vector.extract_strided_slice %get3A_2 {offsets = [0, 0, 0], sizes = [1, 10000, 1], strides = [1, 1, 1]} : vector<2x10000x16xf32> to vector<1x10000x1xf32>
    %squeeze3A = vector.shape_cast %slice3A : vector<1x10000x1xf32> to vector<10000xf32>
    %add3A = arith.constant 1.000000e+00 : f32
    %add3A_3 = vector.broadcast %add3A : f32 to vector<10000xf32>
    %add3A_4 = arith.addf %add3A_3, %squeeze3A : vector<10000xf32>
    %slice3A_5 = vector.extract_strided_slice %get3A_2 {offsets = [1, 0, 0], sizes = [1, 10000, 1], strides = [1, 1, 1]} : vector<2x10000x16xf32> to vector<1x10000x1xf32>
    %squeeze3A_6 = vector.shape_cast %slice3A_5 : vector<1x10000x1xf32> to vector<10000xf32>
    %add3A_7 = arith.addf %add3A_4, %squeeze3A_6 : vector<10000xf32>
    %rsqrt3A = math.rsqrt %add3A_7 : vector<10000xf32>
    %broadcast_in_dim3A = vector.shape_cast %rsqrt3A : vector<10000xf32> to vector<10000x1xf32>
    %swap3A = arith.constant 0 : index
    %swap3A_8 = arith.constant 0 : index
    %swap3A_9 = vector.load %arg2[%swap3A, %swap3A_8] : memref<10000x1xf32, #tpu.memory_space<vmem>>, vector<10000x1xf32>
    tpu.vector_store %arg2[%swap3A, %swap3A_8], %broadcast_in_dim3A {strides = array<i32>} : memref<10000x1xf32, #tpu.memory_space<vmem>>, vector<10000x1xf32>,
    return
  }
  func.func @transform_0(%arg0: i32) -> (i32, i32, i32) {
    %c0_i32 = arith.constant 0 : i32
    %c0_i32_0 = arith.constant 0 : i32
    %c0_i32_1 = arith.constant 0 : i32
    %c0_i32_2 = arith.constant 0 : i32
    return %c0_i32, %c0_i32_0, %c0_i32_1 : i32, i32, i32
  }
  func.func @transform_1(%arg0: i32) -> (i32, i32) {
    %c0_i32 = arith.constant 0 : i32
    %c0_i32_0 = arith.constant 0 : i32
    %c0_i32_1 = arith.constant 0 : i32
    return %c0_i32, %c0_i32_0 : i32, i32
  }
}

module attributes {stable_mosaic.version = 14 : i64} {
  func.func @_prescale_kernel(%arg0: i32, %arg1: memref<1000x1xf32, #tpu.memory_space<vmem>>, %arg2: memref<1000x64xf32, #tpu.memory_space<vmem>>, %arg3: memref<1000x64xf32, #tpu.memory_space<vmem>>) attributes {dimension_semantics = [#tpu.dimension_semantics<arbitrary>], iteration_bounds = array<i64: 10>, scalar_prefetch = 0 : i64, scratch_operands = 0 : i64, tpu.core_type = #tpu.core_type<tc>, window_params = [{transform_indices = @transform_0, window_bounds = array<i64: 1000, 1>}, {transform_indices = @transform_1, window_bounds = array<i64: 1000, 64>}, {transform_indices = @transform_2, window_bounds = array<i64: 1000, 64>}]} {
    %get3A = arith.constant 0 : index
    %get3A_0 = arith.constant 0 : index
    %get3A_1 = vector.load %arg1[%get3A, %get3A_0] : memref<1000x1xf32, #tpu.memory_space<vmem>>, vector<1000x1xf32>
    %get3A_2 = arith.constant 0 : index
    %get3A_3 = arith.constant 0 : index
    %get3A_4 = vector.load %arg2[%get3A_2, %get3A_3] : memref<1000x64xf32, #tpu.memory_space<vmem>>, vector<1000x64xf32>
    %mul3A = vector.broadcast %get3A_1 : vector<1000x1xf32> to vector<1000x64xf32>
    %mul3A_5 = arith.mulf %mul3A, %get3A_4 : vector<1000x64xf32>
    %swap3A = arith.constant 0 : index
    %swap3A_6 = arith.constant 0 : index
    %swap3A_7 = vector.load %arg3[%swap3A, %swap3A_6] : memref<1000x64xf32, #tpu.memory_space<vmem>>, vector<1000x64xf32>
    tpu.vector_store %arg3[%swap3A, %swap3A_6], %mul3A_5 {strides = array<i32>} : memref<1000x64xf32, #tpu.memory_space<vmem>>, vector<1000x64xf32>,
    return
  }
  func.func @transform_0(%arg0: i32) -> (i32, i32) {
    %c0_i32 = arith.constant 0 : i32
    %c0_i32_0 = arith.constant 0 : i32
    return %arg0, %c0_i32 : i32, i32
  }
  func.func @transform_1(%arg0: i32) -> (i32, i32) {
    %c0_i32 = arith.constant 0 : i32
    %c0_i32_0 = arith.constant 0 : i32
    return %arg0, %c0_i32 : i32, i32
  }
  func.func @transform_2(%arg0: i32) -> (i32, i32) {
    %c0_i32 = arith.constant 0 : i32
    %c0_i32_0 = arith.constant 0 : i32
    return %arg0, %c0_i32 : i32, i32
  }
}

module attributes {stable_mosaic.version = 14 : i64} {
  func.func @_gcn_post_kernel(%arg0: i32, %arg1: memref<2x1000x64xf32, #tpu.memory_space<vmem>>, %arg2: memref<1000x1xf32, #tpu.memory_space<vmem>>, %arg3: memref<64xf32, #tpu.memory_space<vmem>>, %arg4: memref<1000x64xf32, #tpu.memory_space<vmem>>) attributes {dimension_semantics = [#tpu.dimension_semantics<arbitrary>], iteration_bounds = array<i64: 10>, scalar_prefetch = 0 : i64, scratch_operands = 0 : i64, tpu.core_type = #tpu.core_type<tc>, window_params = [{transform_indices = @transform_0, window_bounds = array<i64: 2, 1000, 64>}, {transform_indices = @transform_1, window_bounds = array<i64: 1000, 1>}, {pipeline_mode = #tpu.pipeline_mode<synchronous>, transform_indices = @transform_2, window_bounds = array<i64: 64>}, {transform_indices = @transform_3, window_bounds = array<i64: 1000, 64>}]} {
    %get3A = arith.constant 0 : index
    %get3A_0 = arith.constant 0 : index
    %get3A_1 = vector.load %arg2[%get3A, %get3A_0] : memref<1000x1xf32, #tpu.memory_space<vmem>>, vector<1000x1xf32>
    %get3A_2 = arith.constant 0 : index
    %get3A_3 = arith.constant 0 : index
    %get3A_4 = arith.constant 0 : index
    %get3A_5 = vector.load %arg1[%get3A_2, %get3A_3, %get3A_4] : memref<2x1000x64xf32, #tpu.memory_space<vmem>>, vector<1x1000x64xf32>
    %get3A_6 = vector.shape_cast %get3A_5 : vector<1x1000x64xf32> to vector<1000x64xf32>
    %get3A_7 = arith.constant 1 : index
    %get3A_8 = arith.constant 0 : index
    %get3A_9 = arith.constant 0 : index
    %get3A_10 = vector.load %arg1[%get3A_7, %get3A_8, %get3A_9] : memref<2x1000x64xf32, #tpu.memory_space<vmem>>, vector<1x1000x64xf32>
    %get3A_11 = vector.shape_cast %get3A_10 : vector<1x1000x64xf32> to vector<1000x64xf32>
    %add3A = arith.addf %get3A_6, %get3A_11 : vector<1000x64xf32>
    %mul3A = vector.broadcast %get3A_1 : vector<1000x1xf32> to vector<1000x64xf32>
    %mul3A_12 = arith.mulf %mul3A, %add3A : vector<1000x64xf32>
    %get3A_13 = arith.constant 0 : index
    %get3A_14 = vector.load %arg3[%get3A_13] : memref<64xf32, #tpu.memory_space<vmem>>, vector<64xf32>
    %broadcast_in_dim3A = vector.shape_cast %get3A_14 : vector<64xf32> to vector<1x64xf32>
    %add3A_15 = vector.broadcast %broadcast_in_dim3A : vector<1x64xf32> to vector<1000x64xf32>
    %add3A_16 = arith.addf %mul3A_12, %add3A_15 : vector<1000x64xf32>
    %max3A = arith.constant 0.000000e+00 : f32
    %max3A_17 = vector.broadcast %max3A : f32 to vector<1000x64xf32>
    %max3A_18 = arith.maximumf %add3A_16, %max3A_17 : vector<1000x64xf32>
    %swap3A = arith.constant 0 : index
    %swap3A_19 = arith.constant 0 : index
    %swap3A_20 = vector.load %arg4[%swap3A, %swap3A_19] : memref<1000x64xf32, #tpu.memory_space<vmem>>, vector<1000x64xf32>
    tpu.vector_store %arg4[%swap3A, %swap3A_19], %max3A_18 {strides = array<i32>} : memref<1000x64xf32, #tpu.memory_space<vmem>>, vector<1000x64xf32>,
    return
  }
  func.func @transform_0(%arg0: i32) -> (i32, i32, i32) {
    %c0_i32 = arith.constant 0 : i32
    %c0_i32_0 = arith.constant 0 : i32
    %c0_i32_1 = arith.constant 0 : i32
    return %c0_i32, %arg0, %c0_i32_0 : i32, i32, i32
  }
  func.func @transform_1(%arg0: i32) -> (i32, i32) {
    %c0_i32 = arith.constant 0 : i32
    %c0_i32_0 = arith.constant 0 : i32
    return %arg0, %c0_i32 : i32, i32
  }
  func.func @transform_2(%arg0: i32) -> i32 {
    %c0_i32 = arith.constant 0 : i32
    %c0_i32_0 = arith.constant 0 : i32
    return %c0_i32 : i32
  }
  func.func @transform_3(%arg0: i32) -> (i32, i32) {
    %c0_i32 = arith.constant 0 : i32
    %c0_i32_0 = arith.constant 0 : i32
    return %arg0, %c0_i32 : i32, i32
  }
}

module attributes {stable_mosaic.version = 14 : i64} {
  func.func @_gat_mm_kernel(%arg0: i32, %arg1: memref<1000x64xf32, #tpu.memory_space<vmem>>, %arg2: memref<64x256xf32, #tpu.memory_space<vmem>>, %arg3: memref<256x8xf32, #tpu.memory_space<vmem>>, %arg4: memref<1000x256xf32, #tpu.memory_space<vmem>>, %arg5: memref<1000x8xf32, #tpu.memory_space<vmem>>) attributes {dimension_semantics = [#tpu.dimension_semantics<arbitrary>], iteration_bounds = array<i64: 10>, scalar_prefetch = 0 : i64, scratch_operands = 0 : i64, tpu.core_type = #tpu.core_type<tc>, window_params = [{transform_indices = @transform_0, window_bounds = array<i64: 1000, 64>}, {pipeline_mode = #tpu.pipeline_mode<synchronous>, transform_indices = @transform_1, window_bounds = array<i64: 64, 256>}, {pipeline_mode = #tpu.pipeline_mode<synchronous>, transform_indices = @transform_2, window_bounds = array<i64: 256, 8>}, {transform_indices = @transform_3, window_bounds = array<i64: 1000, 256>}, {transform_indices = @transform_4, window_bounds = array<i64: 1000, 8>}]} {
    %get3A = arith.constant 0 : index
    %get3A_0 = arith.constant 0 : index
    %get3A_1 = vector.load %arg1[%get3A, %get3A_0] : memref<1000x64xf32, #tpu.memory_space<vmem>>, vector<1000x64xf32>
    %get3A_2 = arith.constant 0 : index
    %get3A_3 = arith.constant 0 : index
    %get3A_4 = vector.load %arg2[%get3A_2, %get3A_3] : memref<64x256xf32, #tpu.memory_space<vmem>>, vector<64x256xf32>
    %dot_general3A = arith.constant dense<0.000000e+00> : vector<1000x256xf32>
    %dot_general3A_5 = tpu.matmul %get3A_1, %get3A_4, %dot_general3A {dimension_numbers = #tpu.dot_dimension_numbers<[1], [0], [0], [1], [0, 0, 1, 1], [], []>, precision = #tpu.contract_precision<fp32>, transpose_lhs_hint = false} : vector<1000x64xf32>, vector<64x256xf32>, vector<1000x256xf32> -> vector<1000x256xf32>
    %swap3A = arith.constant 0 : index
    %swap3A_6 = arith.constant 0 : index
    %swap3A_7 = vector.load %arg4[%swap3A, %swap3A_6] : memref<1000x256xf32, #tpu.memory_space<vmem>>, vector<1000x256xf32>
    tpu.vector_store %arg4[%swap3A, %swap3A_6], %dot_general3A_5 {strides = array<i32>} : memref<1000x256xf32, #tpu.memory_space<vmem>>, vector<1000x256xf32>,
    %get3A_8 = arith.constant 0 : index
    %get3A_9 = arith.constant 0 : index
    %get3A_10 = vector.load %arg3[%get3A_8, %get3A_9] : memref<256x8xf32, #tpu.memory_space<vmem>>, vector<256x8xf32>
    %dot_general3A_11 = arith.constant dense<0.000000e+00> : vector<1000x8xf32>
    %dot_general3A_12 = tpu.matmul %dot_general3A_5, %get3A_10, %dot_general3A_11 {dimension_numbers = #tpu.dot_dimension_numbers<[1], [0], [0], [1], [0, 0, 1, 1], [], []>, precision = #tpu.contract_precision<fp32>, transpose_lhs_hint = false} : vector<1000x256xf32>, vector<256x8xf32>, vector<1000x8xf32> -> vector<1000x8xf32>
    %swap3A_13 = arith.constant 0 : index
    %swap3A_14 = arith.constant 0 : index
    %swap3A_15 = vector.load %arg5[%swap3A_13, %swap3A_14] : memref<1000x8xf32, #tpu.memory_space<vmem>>, vector<1000x8xf32>
    tpu.vector_store %arg5[%swap3A_13, %swap3A_14], %dot_general3A_12 {strides = array<i32>} : memref<1000x8xf32, #tpu.memory_space<vmem>>, vector<1000x8xf32>,
    return
  }
  func.func @transform_0(%arg0: i32) -> (i32, i32) {
    %c0_i32 = arith.constant 0 : i32
    %c0_i32_0 = arith.constant 0 : i32
    return %arg0, %c0_i32 : i32, i32
  }
  func.func @transform_1(%arg0: i32) -> (i32, i32) {
    %c0_i32 = arith.constant 0 : i32
    %c0_i32_0 = arith.constant 0 : i32
    %c0_i32_1 = arith.constant 0 : i32
    return %c0_i32, %c0_i32_0 : i32, i32
  }
  func.func @transform_2(%arg0: i32) -> (i32, i32) {
    %c0_i32 = arith.constant 0 : i32
    %c0_i32_0 = arith.constant 0 : i32
    %c0_i32_1 = arith.constant 0 : i32
    return %c0_i32, %c0_i32_0 : i32, i32
  }
  func.func @transform_3(%arg0: i32) -> (i32, i32) {
    %c0_i32 = arith.constant 0 : i32
    %c0_i32_0 = arith.constant 0 : i32
    return %arg0, %c0_i32 : i32, i32
  }
  func.func @transform_4(%arg0: i32) -> (i32, i32) {
    %c0_i32 = arith.constant 0 : i32
    %c0_i32_0 = arith.constant 0 : i32
    return %arg0, %c0_i32 : i32, i32
  }
}

module attributes {stable_mosaic.version = 14 : i64} {
  func.func @_pack_kernel(%arg0: i32, %arg1: memref<1000x256xf32, #tpu.memory_space<vmem>>, %arg2: memref<1000x8xf32, #tpu.memory_space<vmem>>, %arg3: memref<2x1000x144xf32, #tpu.memory_space<vmem>>, %arg4: memref<2x1000x16xf32, #tpu.memory_space<vmem>>) attributes {dimension_semantics = [#tpu.dimension_semantics<arbitrary>], iteration_bounds = array<i64: 10>, scalar_prefetch = 0 : i64, scratch_operands = 0 : i64, tpu.core_type = #tpu.core_type<tc>, window_params = [{transform_indices = @transform_0, window_bounds = array<i64: 1000, 256>}, {transform_indices = @transform_1, window_bounds = array<i64: 1000, 8>}, {transform_indices = @transform_2, window_bounds = array<i64: 2, 1000, 144>}, {transform_indices = @transform_3, window_bounds = array<i64: 2, 1000, 16>}]} {
    %broadcast_in_dim3A = arith.constant 0.000000e+00 : f32
    %broadcast_in_dim3A_0 = vector.broadcast %broadcast_in_dim3A : f32 to vector<1000x14xf32>
    %get3A = arith.constant 0 : index
    %get3A_1 = arith.constant 0 : index
    %get3A_2 = vector.load %arg1[%get3A, %get3A_1] : memref<1000x256xf32, #tpu.memory_space<vmem>>, vector<1000x128xf32>
    %get3A_3 = arith.constant 0 : index
    %get3A_4 = arith.constant 0 : index
    %get3A_5 = vector.load %arg2[%get3A_3, %get3A_4] : memref<1000x8xf32, #tpu.memory_space<vmem>>, vector<1000x2xf32>
    %concatenate3A = tpu.concatenate %get3A_2, %get3A_5, %broadcast_in_dim3A_0 in 1 : vector<1000x128xf32>, vector<1000x2xf32>, vector<1000x14xf32> -> vector<1000x144xf32>
    %swap3A = arith.constant 0 : index
    %swap3A_6 = arith.constant 0 : index
    %swap3A_7 = arith.constant 0 : index
    %swap3A_8 = vector.load %arg3[%swap3A, %swap3A_6, %swap3A_7] : memref<2x1000x144xf32, #tpu.memory_space<vmem>>, vector<1x1000x144xf32>
    %swap3A_9 = vector.shape_cast %swap3A_8 : vector<1x1000x144xf32> to vector<1000x144xf32>
    %swap3A_10 = vector.shape_cast %concatenate3A : vector<1000x144xf32> to vector<1x1000x144xf32>
    tpu.vector_store %arg3[%swap3A, %swap3A_6, %swap3A_7], %swap3A_10 {strides = array<i32>} : memref<2x1000x144xf32, #tpu.memory_space<vmem>>, vector<1x1000x144xf32>,
    %get3A_11 = arith.constant 0 : index
    %get3A_12 = arith.constant 4 : index
    %get3A_13 = vector.load %arg2[%get3A_11, %get3A_12] : memref<1000x8xf32, #tpu.memory_space<vmem>>, vector<1000x2xf32>
    %concatenate3A_14 = tpu.concatenate %get3A_13, %broadcast_in_dim3A_0 in 1 : vector<1000x2xf32>, vector<1000x14xf32> -> vector<1000x16xf32>
    %swap3A_15 = arith.constant 0 : index
    %swap3A_16 = arith.constant 0 : index
    %swap3A_17 = arith.constant 0 : index
    %swap3A_18 = vector.load %arg4[%swap3A_15, %swap3A_16, %swap3A_17] : memref<2x1000x16xf32, #tpu.memory_space<vmem>>, vector<1x1000x16xf32>
    %swap3A_19 = vector.shape_cast %swap3A_18 : vector<1x1000x16xf32> to vector<1000x16xf32>
    %swap3A_20 = vector.shape_cast %concatenate3A_14 : vector<1000x16xf32> to vector<1x1000x16xf32>
    tpu.vector_store %arg4[%swap3A_15, %swap3A_16, %swap3A_17], %swap3A_20 {strides = array<i32>} : memref<2x1000x16xf32, #tpu.memory_space<vmem>>, vector<1x1000x16xf32>,
    %get3A_21 = arith.constant 0 : index
    %get3A_22 = arith.constant 128 : index
    %get3A_23 = vector.load %arg1[%get3A_21, %get3A_22] : memref<1000x256xf32, #tpu.memory_space<vmem>>, vector<1000x128xf32>
    %get3A_24 = arith.constant 0 : index
    %get3A_25 = arith.constant 2 : index
    %get3A_26 = vector.load %arg2[%get3A_24, %get3A_25] : memref<1000x8xf32, #tpu.memory_space<vmem>>, vector<1000x2xf32>
    %concatenate3A_27 = tpu.concatenate %get3A_23, %get3A_26, %broadcast_in_dim3A_0 in 1 : vector<1000x128xf32>, vector<1000x2xf32>, vector<1000x14xf32> -> vector<1000x144xf32>
    %swap3A_28 = arith.constant 1 : index
    %swap3A_29 = arith.constant 0 : index
    %swap3A_30 = arith.constant 0 : index
    %swap3A_31 = vector.load %arg3[%swap3A_28, %swap3A_29, %swap3A_30] : memref<2x1000x144xf32, #tpu.memory_space<vmem>>, vector<1x1000x144xf32>
    %swap3A_32 = vector.shape_cast %swap3A_31 : vector<1x1000x144xf32> to vector<1000x144xf32>
    %swap3A_33 = vector.shape_cast %concatenate3A_27 : vector<1000x144xf32> to vector<1x1000x144xf32>
    tpu.vector_store %arg3[%swap3A_28, %swap3A_29, %swap3A_30], %swap3A_33 {strides = array<i32>} : memref<2x1000x144xf32, #tpu.memory_space<vmem>>, vector<1x1000x144xf32>,
    %get3A_34 = arith.constant 0 : index
    %get3A_35 = arith.constant 6 : index
    %get3A_36 = vector.load %arg2[%get3A_34, %get3A_35] : memref<1000x8xf32, #tpu.memory_space<vmem>>, vector<1000x2xf32>
    %concatenate3A_37 = tpu.concatenate %get3A_36, %broadcast_in_dim3A_0 in 1 : vector<1000x2xf32>, vector<1000x14xf32> -> vector<1000x16xf32>
    %swap3A_38 = arith.constant 1 : index
    %swap3A_39 = arith.constant 0 : index
    %swap3A_40 = arith.constant 0 : index
    %swap3A_41 = vector.load %arg4[%swap3A_38, %swap3A_39, %swap3A_40] : memref<2x1000x16xf32, #tpu.memory_space<vmem>>, vector<1x1000x16xf32>
    %swap3A_42 = vector.shape_cast %swap3A_41 : vector<1x1000x16xf32> to vector<1000x16xf32>
    %swap3A_43 = vector.shape_cast %concatenate3A_37 : vector<1000x16xf32> to vector<1x1000x16xf32>
    tpu.vector_store %arg4[%swap3A_38, %swap3A_39, %swap3A_40], %swap3A_43 {strides = array<i32>} : memref<2x1000x16xf32, #tpu.memory_space<vmem>>, vector<1x1000x16xf32>,
    return
  }
  func.func @transform_0(%arg0: i32) -> (i32, i32) {
    %c0_i32 = arith.constant 0 : i32
    %c0_i32_0 = arith.constant 0 : i32
    return %arg0, %c0_i32 : i32, i32
  }
  func.func @transform_1(%arg0: i32) -> (i32, i32) {
    %c0_i32 = arith.constant 0 : i32
    %c0_i32_0 = arith.constant 0 : i32
    return %arg0, %c0_i32 : i32, i32
  }
  func.func @transform_2(%arg0: i32) -> (i32, i32, i32) {
    %c0_i32 = arith.constant 0 : i32
    %c0_i32_0 = arith.constant 0 : i32
    %c0_i32_1 = arith.constant 0 : i32
    return %c0_i32, %arg0, %c0_i32_0 : i32, i32, i32
  }
  func.func @transform_3(%arg0: i32) -> (i32, i32, i32) {
    %c0_i32 = arith.constant 0 : i32
    %c0_i32_0 = arith.constant 0 : i32
    %c0_i32_1 = arith.constant 0 : i32
    return %c0_i32, %arg0, %c0_i32_0 : i32, i32, i32
  }
}

module attributes {stable_mosaic.version = 14 : i64} {
  func.func @_gat_post_kernel(%arg0: i32, %arg1: memref<1000x256xf32, #tpu.memory_space<vmem>>, %arg2: memref<1000x4xf32, #tpu.memory_space<vmem>>, %arg3: memref<1000x256xf32, #tpu.memory_space<vmem>>, %arg4: memref<1000x8xf32, #tpu.memory_space<vmem>>, %arg5: memref<256xf32, #tpu.memory_space<vmem>>, %arg6: memref<1000x256xf32, #tpu.memory_space<vmem>>) attributes {dimension_semantics = [#tpu.dimension_semantics<arbitrary>], iteration_bounds = array<i64: 10>, scalar_prefetch = 0 : i64, scratch_operands = 0 : i64, tpu.core_type = #tpu.core_type<tc>, window_params = [{transform_indices = @transform_0, window_bounds = array<i64: 1000, 256>}, {transform_indices = @transform_1, window_bounds = array<i64: 1000, 4>}, {transform_indices = @transform_2, window_bounds = array<i64: 1000, 256>}, {transform_indices = @transform_3, window_bounds = array<i64: 1000, 8>}, {pipeline_mode = #tpu.pipeline_mode<synchronous>, transform_indices = @transform_4, window_bounds = array<i64: 256>}, {transform_indices = @transform_5, window_bounds = array<i64: 1000, 256>}]} {
    %get3A = arith.constant 0 : index
    %get3A_0 = arith.constant 0 : index
    %get3A_1 = vector.load %arg4[%get3A, %get3A_0] : memref<1000x8xf32, #tpu.memory_space<vmem>>, vector<1000x8xf32>
    %slice3A = vector.extract_strided_slice %get3A_1 {offsets = [0, 0], sizes = [1000, 4], strides = [1, 1]} : vector<1000x8xf32> to vector<1000x4xf32>
    %slice3A_2 = vector.extract_strided_slice %get3A_1 {offsets = [0, 4], sizes = [1000, 4], strides = [1, 1]} : vector<1000x8xf32> to vector<1000x4xf32>
    %add3A = arith.addf %slice3A, %slice3A_2 : vector<1000x4xf32>
    %mul3A = arith.constant 2.000000e-01 : f32
    %mul3A_3 = vector.broadcast %mul3A : f32 to vector<1000x4xf32>
    %mul3A_4 = arith.mulf %mul3A_3, %add3A : vector<1000x4xf32>
    %max3A = arith.maximumf %add3A, %mul3A_4 : vector<1000x4xf32>
    %exp3A = math.exp %max3A : vector<1000x4xf32>
    %slice3A_5 = vector.extract_strided_slice %exp3A {offsets = [0, 0], sizes = [1000, 1], strides = [1, 1]} : vector<1000x4xf32> to vector<1000x1xf32>
    %get3A_6 = arith.constant 0 : index
    %get3A_7 = arith.constant 0 : index
    %get3A_8 = vector.load %arg1[%get3A_6, %get3A_7] : memref<1000x256xf32, #tpu.memory_space<vmem>>, vector<1000x64xf32>
    %get3A_9 = arith.constant 0 : index
    %get3A_10 = arith.constant 0 : index
    %get3A_11 = vector.load %arg3[%get3A_9, %get3A_10] : memref<1000x256xf32, #tpu.memory_space<vmem>>, vector<1000x64xf32>
    %mul3A_12 = vector.broadcast %slice3A_5 : vector<1000x1xf32> to vector<1000x64xf32>
    %mul3A_13 = arith.mulf %mul3A_12, %get3A_11 : vector<1000x64xf32>
    %add3A_14 = arith.addf %get3A_8, %mul3A_13 : vector<1000x64xf32>
    %get3A_15 = arith.constant 0 : index
    %get3A_16 = arith.constant 0 : index
    %get3A_17 = vector.load %arg2[%get3A_15, %get3A_16] : memref<1000x4xf32, #tpu.memory_space<vmem>>, vector<1000x1xf32>
    %add3A_18 = arith.addf %get3A_17, %slice3A_5 : vector<1000x1xf32>
    %max3A_19 = arith.constant 1.000000e-16 : f32
    %max3A_20 = vector.broadcast %max3A_19 : f32 to vector<1000x1xf32>
    %max3A_21 = arith.maximumf %add3A_18, %max3A_20 : vector<1000x1xf32>
    %div3A = vector.broadcast %max3A_21 : vector<1000x1xf32> to vector<1000x64xf32>
    %div3A_22 = arith.divf %add3A_14, %div3A : vector<1000x64xf32>
    %get3A_23 = arith.constant 0 : index
    %get3A_24 = vector.load %arg5[%get3A_23] : memref<256xf32, #tpu.memory_space<vmem>>, vector<256xf32>
    %slice3A_25 = vector.extract_strided_slice %get3A_24 {offsets = [0], sizes = [64], strides = [1]} : vector<256xf32> to vector<64xf32>
    %broadcast_in_dim3A = vector.shape_cast %slice3A_25 : vector<64xf32> to vector<1x64xf32>
    %add3A_26 = vector.broadcast %broadcast_in_dim3A : vector<1x64xf32> to vector<1000x64xf32>
    %add3A_27 = arith.addf %div3A_22, %add3A_26 : vector<1000x64xf32>
    %gt3A = arith.constant 0.000000e+00 : f32
    %gt3A_28 = vector.broadcast %gt3A : f32 to vector<1000x64xf32>
    %gt3A_29 = arith.cmpf ogt, %add3A_27, %gt3A_28 : vector<1000x64xf32>
    %min3A = arith.constant 0.000000e+00 : f32
    %min3A_30 = vector.broadcast %min3A : f32 to vector<1000x64xf32>
    %min3A_31 = arith.minimumf %add3A_27, %min3A_30 : vector<1000x64xf32>
    %exp3A_32 = math.exp %min3A_31 : vector<1000x64xf32>
    %sub3A = arith.constant 1.000000e+00 : f32
    %sub3A_33 = vector.broadcast %sub3A : f32 to vector<1000x64xf32>
    %sub3A_34 = arith.subf %exp3A_32, %sub3A_33 : vector<1000x64xf32>
    %select_n3A = arith.select %gt3A_29, %add3A_27, %sub3A_34 : vector<1000x64xi1>, vector<1000x64xf32>
    %swap3A = arith.constant 0 : index
    %swap3A_35 = arith.constant 0 : index
    %swap3A_36 = vector.load %arg6[%swap3A, %swap3A_35] : memref<1000x256xf32, #tpu.memory_space<vmem>>, vector<1000x64xf32>
    tpu.vector_store %arg6[%swap3A, %swap3A_35], %select_n3A {strides = array<i32>} : memref<1000x256xf32, #tpu.memory_space<vmem>>, vector<1000x64xf32>,
    %slice3A_37 = vector.extract_strided_slice %exp3A {offsets = [0, 1], sizes = [1000, 1], strides = [1, 1]} : vector<1000x4xf32> to vector<1000x1xf32>
    %get3A_38 = arith.constant 0 : index
    %get3A_39 = arith.constant 64 : index
    %get3A_40 = vector.load %arg1[%get3A_38, %get3A_39] : memref<1000x256xf32, #tpu.memory_space<vmem>>, vector<1000x64xf32>
    %get3A_41 = arith.constant 0 : index
    %get3A_42 = arith.constant 64 : index
    %get3A_43 = vector.load %arg3[%get3A_41, %get3A_42] : memref<1000x256xf32, #tpu.memory_space<vmem>>, vector<1000x64xf32>
    %mul3A_44 = vector.broadcast %slice3A_37 : vector<1000x1xf32> to vector<1000x64xf32>
    %mul3A_45 = arith.mulf %mul3A_44, %get3A_43 : vector<1000x64xf32>
    %add3A_46 = arith.addf %get3A_40, %mul3A_45 : vector<1000x64xf32>
    %get3A_47 = arith.constant 0 : index
    %get3A_48 = arith.constant 1 : index
    %get3A_49 = vector.load %arg2[%get3A_47, %get3A_48] : memref<1000x4xf32, #tpu.memory_space<vmem>>, vector<1000x1xf32>
    %add3A_50 = arith.addf %get3A_49, %slice3A_37 : vector<1000x1xf32>
    %max3A_51 = arith.constant 1.000000e-16 : f32
    %max3A_52 = vector.broadcast %max3A_51 : f32 to vector<1000x1xf32>
    %max3A_53 = arith.maximumf %add3A_50, %max3A_52 : vector<1000x1xf32>
    %div3A_54 = vector.broadcast %max3A_53 : vector<1000x1xf32> to vector<1000x64xf32>
    %div3A_55 = arith.divf %add3A_46, %div3A_54 : vector<1000x64xf32>
    %get3A_56 = arith.constant 0 : index
    %get3A_57 = vector.load %arg5[%get3A_56] : memref<256xf32, #tpu.memory_space<vmem>>, vector<256xf32>
    %slice3A_58 = vector.extract_strided_slice %get3A_57 {offsets = [64], sizes = [64], strides = [1]} : vector<256xf32> to vector<64xf32>
    %broadcast_in_dim3A_59 = vector.shape_cast %slice3A_58 : vector<64xf32> to vector<1x64xf32>
    %add3A_60 = vector.broadcast %broadcast_in_dim3A_59 : vector<1x64xf32> to vector<1000x64xf32>
    %add3A_61 = arith.addf %div3A_55, %add3A_60 : vector<1000x64xf32>
    %gt3A_62 = arith.constant 0.000000e+00 : f32
    %gt3A_63 = vector.broadcast %gt3A_62 : f32 to vector<1000x64xf32>
    %gt3A_64 = arith.cmpf ogt, %add3A_61, %gt3A_63 : vector<1000x64xf32>
    %min3A_65 = arith.constant 0.000000e+00 : f32
    %min3A_66 = vector.broadcast %min3A_65 : f32 to vector<1000x64xf32>
    %min3A_67 = arith.minimumf %add3A_61, %min3A_66 : vector<1000x64xf32>
    %exp3A_68 = math.exp %min3A_67 : vector<1000x64xf32>
    %sub3A_69 = arith.constant 1.000000e+00 : f32
    %sub3A_70 = vector.broadcast %sub3A_69 : f32 to vector<1000x64xf32>
    %sub3A_71 = arith.subf %exp3A_68, %sub3A_70 : vector<1000x64xf32>
    %select_n3A_72 = arith.select %gt3A_64, %add3A_61, %sub3A_71 : vector<1000x64xi1>, vector<1000x64xf32>
    %swap3A_73 = arith.constant 0 : index
    %swap3A_74 = arith.constant 64 : index
    %swap3A_75 = vector.load %arg6[%swap3A_73, %swap3A_74] : memref<1000x256xf32, #tpu.memory_space<vmem>>, vector<1000x64xf32>
    tpu.vector_store %arg6[%swap3A_73, %swap3A_74], %select_n3A_72 {strides = array<i32>} : memref<1000x256xf32, #tpu.memory_space<vmem>>, vector<1000x64xf32>,
    %slice3A_76 = vector.extract_strided_slice %exp3A {offsets = [0, 2], sizes = [1000, 1], strides = [1, 1]} : vector<1000x4xf32> to vector<1000x1xf32>
    %get3A_77 = arith.constant 0 : index
    %get3A_78 = arith.constant 128 : index
    %get3A_79 = vector.load %arg1[%get3A_77, %get3A_78] : memref<1000x256xf32, #tpu.memory_space<vmem>>, vector<1000x64xf32>
    %get3A_80 = arith.constant 0 : index
    %get3A_81 = arith.constant 128 : index
    %get3A_82 = vector.load %arg3[%get3A_80, %get3A_81] : memref<1000x256xf32, #tpu.memory_space<vmem>>, vector<1000x64xf32>
    %mul3A_83 = vector.broadcast %slice3A_76 : vector<1000x1xf32> to vector<1000x64xf32>
    %mul3A_84 = arith.mulf %mul3A_83, %get3A_82 : vector<1000x64xf32>
    %add3A_85 = arith.addf %get3A_79, %mul3A_84 : vector<1000x64xf32>
    %get3A_86 = arith.constant 0 : index
    %get3A_87 = arith.constant 2 : index
    %get3A_88 = vector.load %arg2[%get3A_86, %get3A_87] : memref<1000x4xf32, #tpu.memory_space<vmem>>, vector<1000x1xf32>
    %add3A_89 = arith.addf %get3A_88, %slice3A_76 : vector<1000x1xf32>
    %max3A_90 = arith.constant 1.000000e-16 : f32
    %max3A_91 = vector.broadcast %max3A_90 : f32 to vector<1000x1xf32>
    %max3A_92 = arith.maximumf %add3A_89, %max3A_91 : vector<1000x1xf32>
    %div3A_93 = vector.broadcast %max3A_92 : vector<1000x1xf32> to vector<1000x64xf32>
    %div3A_94 = arith.divf %add3A_85, %div3A_93 : vector<1000x64xf32>
    %get3A_95 = arith.constant 0 : index
    %get3A_96 = vector.load %arg5[%get3A_95] : memref<256xf32, #tpu.memory_space<vmem>>, vector<256xf32>
    %slice3A_97 = vector.extract_strided_slice %get3A_96 {offsets = [128], sizes = [64], strides = [1]} : vector<256xf32> to vector<64xf32>
    %broadcast_in_dim3A_98 = vector.shape_cast %slice3A_97 : vector<64xf32> to vector<1x64xf32>
    %add3A_99 = vector.broadcast %broadcast_in_dim3A_98 : vector<1x64xf32> to vector<1000x64xf32>
    %add3A_100 = arith.addf %div3A_94, %add3A_99 : vector<1000x64xf32>
    %gt3A_101 = arith.constant 0.000000e+00 : f32
    %gt3A_102 = vector.broadcast %gt3A_101 : f32 to vector<1000x64xf32>
    %gt3A_103 = arith.cmpf ogt, %add3A_100, %gt3A_102 : vector<1000x64xf32>
    %min3A_104 = arith.constant 0.000000e+00 : f32
    %min3A_105 = vector.broadcast %min3A_104 : f32 to vector<1000x64xf32>
    %min3A_106 = arith.minimumf %add3A_100, %min3A_105 : vector<1000x64xf32>
    %exp3A_107 = math.exp %min3A_106 : vector<1000x64xf32>
    %sub3A_108 = arith.constant 1.000000e+00 : f32
    %sub3A_109 = vector.broadcast %sub3A_108 : f32 to vector<1000x64xf32>
    %sub3A_110 = arith.subf %exp3A_107, %sub3A_109 : vector<1000x64xf32>
    %select_n3A_111 = arith.select %gt3A_103, %add3A_100, %sub3A_110 : vector<1000x64xi1>, vector<1000x64xf32>
    %swap3A_112 = arith.constant 0 : index
    %swap3A_113 = arith.constant 128 : index
    %swap3A_114 = vector.load %arg6[%swap3A_112, %swap3A_113] : memref<1000x256xf32, #tpu.memory_space<vmem>>, vector<1000x64xf32>
    tpu.vector_store %arg6[%swap3A_112, %swap3A_113], %select_n3A_111 {strides = array<i32>} : memref<1000x256xf32, #tpu.memory_space<vmem>>, vector<1000x64xf32>,
    %slice3A_115 = vector.extract_strided_slice %exp3A {offsets = [0, 3], sizes = [1000, 1], strides = [1, 1]} : vector<1000x4xf32> to vector<1000x1xf32>
    %get3A_116 = arith.constant 0 : index
    %get3A_117 = arith.constant 192 : index
    %get3A_118 = vector.load %arg1[%get3A_116, %get3A_117] : memref<1000x256xf32, #tpu.memory_space<vmem>>, vector<1000x64xf32>
    %get3A_119 = arith.constant 0 : index
    %get3A_120 = arith.constant 192 : index
    %get3A_121 = vector.load %arg3[%get3A_119, %get3A_120] : memref<1000x256xf32, #tpu.memory_space<vmem>>, vector<1000x64xf32>
    %mul3A_122 = vector.broadcast %slice3A_115 : vector<1000x1xf32> to vector<1000x64xf32>
    %mul3A_123 = arith.mulf %mul3A_122, %get3A_121 : vector<1000x64xf32>
    %add3A_124 = arith.addf %get3A_118, %mul3A_123 : vector<1000x64xf32>
    %get3A_125 = arith.constant 0 : index
    %get3A_126 = arith.constant 3 : index
    %get3A_127 = vector.load %arg2[%get3A_125, %get3A_126] : memref<1000x4xf32, #tpu.memory_space<vmem>>, vector<1000x1xf32>
    %add3A_128 = arith.addf %get3A_127, %slice3A_115 : vector<1000x1xf32>
    %max3A_129 = arith.constant 1.000000e-16 : f32
    %max3A_130 = vector.broadcast %max3A_129 : f32 to vector<1000x1xf32>
    %max3A_131 = arith.maximumf %add3A_128, %max3A_130 : vector<1000x1xf32>
    %div3A_132 = vector.broadcast %max3A_131 : vector<1000x1xf32> to vector<1000x64xf32>
    %div3A_133 = arith.divf %add3A_124, %div3A_132 : vector<1000x64xf32>
    %get3A_134 = arith.constant 0 : index
    %get3A_135 = vector.load %arg5[%get3A_134] : memref<256xf32, #tpu.memory_space<vmem>>, vector<256xf32>
    %slice3A_136 = vector.extract_strided_slice %get3A_135 {offsets = [192], sizes = [64], strides = [1]} : vector<256xf32> to vector<64xf32>
    %broadcast_in_dim3A_137 = vector.shape_cast %slice3A_136 : vector<64xf32> to vector<1x64xf32>
    %add3A_138 = vector.broadcast %broadcast_in_dim3A_137 : vector<1x64xf32> to vector<1000x64xf32>
    %add3A_139 = arith.addf %div3A_133, %add3A_138 : vector<1000x64xf32>
    %gt3A_140 = arith.constant 0.000000e+00 : f32
    %gt3A_141 = vector.broadcast %gt3A_140 : f32 to vector<1000x64xf32>
    %gt3A_142 = arith.cmpf ogt, %add3A_139, %gt3A_141 : vector<1000x64xf32>
    %min3A_143 = arith.constant 0.000000e+00 : f32
    %min3A_144 = vector.broadcast %min3A_143 : f32 to vector<1000x64xf32>
    %min3A_145 = arith.minimumf %add3A_139, %min3A_144 : vector<1000x64xf32>
    %exp3A_146 = math.exp %min3A_145 : vector<1000x64xf32>
    %sub3A_147 = arith.constant 1.000000e+00 : f32
    %sub3A_148 = vector.broadcast %sub3A_147 : f32 to vector<1000x64xf32>
    %sub3A_149 = arith.subf %exp3A_146, %sub3A_148 : vector<1000x64xf32>
    %select_n3A_150 = arith.select %gt3A_142, %add3A_139, %sub3A_149 : vector<1000x64xi1>, vector<1000x64xf32>
    %swap3A_151 = arith.constant 0 : index
    %swap3A_152 = arith.constant 192 : index
    %swap3A_153 = vector.load %arg6[%swap3A_151, %swap3A_152] : memref<1000x256xf32, #tpu.memory_space<vmem>>, vector<1000x64xf32>
    tpu.vector_store %arg6[%swap3A_151, %swap3A_152], %select_n3A_150 {strides = array<i32>} : memref<1000x256xf32, #tpu.memory_space<vmem>>, vector<1000x64xf32>,
    return
  }
  func.func @transform_0(%arg0: i32) -> (i32, i32) {
    %c0_i32 = arith.constant 0 : i32
    %c0_i32_0 = arith.constant 0 : i32
    return %arg0, %c0_i32 : i32, i32
  }
  func.func @transform_1(%arg0: i32) -> (i32, i32) {
    %c0_i32 = arith.constant 0 : i32
    %c0_i32_0 = arith.constant 0 : i32
    return %arg0, %c0_i32 : i32, i32
  }
  func.func @transform_2(%arg0: i32) -> (i32, i32) {
    %c0_i32 = arith.constant 0 : i32
    %c0_i32_0 = arith.constant 0 : i32
    return %arg0, %c0_i32 : i32, i32
  }
  func.func @transform_3(%arg0: i32) -> (i32, i32) {
    %c0_i32 = arith.constant 0 : i32
    %c0_i32_0 = arith.constant 0 : i32
    return %arg0, %c0_i32 : i32, i32
  }
  func.func @transform_4(%arg0: i32) -> i32 {
    %c0_i32 = arith.constant 0 : i32
    %c0_i32_0 = arith.constant 0 : i32
    return %c0_i32 : i32
  }
  func.func @transform_5(%arg0: i32) -> (i32, i32) {
    %c0_i32 = arith.constant 0 : i32
    %c0_i32_0 = arith.constant 0 : i32
    return %arg0, %c0_i32 : i32, i32
  }
}

module attributes {stable_mosaic.version = 14 : i64} {
  func.func @_mm_scale_kernel(%arg0: i32, %arg1: memref<1000x256xf32, #tpu.memory_space<vmem>>, %arg2: memref<256x64xf32, #tpu.memory_space<vmem>>, %arg3: memref<1000x1xf32, #tpu.memory_space<vmem>>, %arg4: memref<1000x64xf32, #tpu.memory_space<vmem>>) attributes {dimension_semantics = [#tpu.dimension_semantics<arbitrary>], iteration_bounds = array<i64: 10>, scalar_prefetch = 0 : i64, scratch_operands = 0 : i64, tpu.core_type = #tpu.core_type<tc>, window_params = [{transform_indices = @transform_0, window_bounds = array<i64: 1000, 256>}, {pipeline_mode = #tpu.pipeline_mode<synchronous>, transform_indices = @transform_1, window_bounds = array<i64: 256, 64>}, {transform_indices = @transform_2, window_bounds = array<i64: 1000, 1>}, {transform_indices = @transform_3, window_bounds = array<i64: 1000, 64>}]} {
    %get3A = arith.constant 0 : index
    %get3A_0 = arith.constant 0 : index
    %get3A_1 = vector.load %arg3[%get3A, %get3A_0] : memref<1000x1xf32, #tpu.memory_space<vmem>>, vector<1000x1xf32>
    %get3A_2 = arith.constant 0 : index
    %get3A_3 = arith.constant 0 : index
    %get3A_4 = vector.load %arg1[%get3A_2, %get3A_3] : memref<1000x256xf32, #tpu.memory_space<vmem>>, vector<1000x256xf32>
    %get3A_5 = arith.constant 0 : index
    %get3A_6 = arith.constant 0 : index
    %get3A_7 = vector.load %arg2[%get3A_5, %get3A_6] : memref<256x64xf32, #tpu.memory_space<vmem>>, vector<256x64xf32>
    %dot_general3A = arith.constant dense<0.000000e+00> : vector<1000x64xf32>
    %dot_general3A_8 = tpu.matmul %get3A_4, %get3A_7, %dot_general3A {dimension_numbers = #tpu.dot_dimension_numbers<[1], [0], [0], [1], [0, 0, 1, 1], [], []>, precision = #tpu.contract_precision<fp32>, transpose_lhs_hint = false} : vector<1000x256xf32>, vector<256x64xf32>, vector<1000x64xf32> -> vector<1000x64xf32>
    %mul3A = vector.broadcast %get3A_1 : vector<1000x1xf32> to vector<1000x64xf32>
    %mul3A_9 = arith.mulf %mul3A, %dot_general3A_8 : vector<1000x64xf32>
    %swap3A = arith.constant 0 : index
    %swap3A_10 = arith.constant 0 : index
    %swap3A_11 = vector.load %arg4[%swap3A, %swap3A_10] : memref<1000x64xf32, #tpu.memory_space<vmem>>, vector<1000x64xf32>
    tpu.vector_store %arg4[%swap3A, %swap3A_10], %mul3A_9 {strides = array<i32>} : memref<1000x64xf32, #tpu.memory_space<vmem>>, vector<1000x64xf32>,
    return
  }
  func.func @transform_0(%arg0: i32) -> (i32, i32) {
    %c0_i32 = arith.constant 0 : i32
    %c0_i32_0 = arith.constant 0 : i32
    return %arg0, %c0_i32 : i32, i32
  }
  func.func @transform_1(%arg0: i32) -> (i32, i32) {
    %c0_i32 = arith.constant 0 : i32
    %c0_i32_0 = arith.constant 0 : i32
    %c0_i32_1 = arith.constant 0 : i32
    return %c0_i32, %c0_i32_0 : i32, i32
  }
  func.func @transform_2(%arg0: i32) -> (i32, i32) {
    %c0_i32 = arith.constant 0 : i32
    %c0_i32_0 = arith.constant 0 : i32
    return %arg0, %c0_i32 : i32, i32
  }
  func.func @transform_3(%arg0: i32) -> (i32, i32) {
    %c0_i32 = arith.constant 0 : i32
    %c0_i32_0 = arith.constant 0 : i32
    return %arg0, %c0_i32 : i32, i32
  }
}

module attributes {stable_mosaic.version = 14 : i64} {
  func.func @_gcn_post_kernel(%arg0: i32, %arg1: memref<2x1000x64xf32, #tpu.memory_space<vmem>>, %arg2: memref<1000x1xf32, #tpu.memory_space<vmem>>, %arg3: memref<64xf32, #tpu.memory_space<vmem>>, %arg4: memref<1000x64xf32, #tpu.memory_space<vmem>>) attributes {dimension_semantics = [#tpu.dimension_semantics<arbitrary>], iteration_bounds = array<i64: 10>, scalar_prefetch = 0 : i64, scratch_operands = 0 : i64, tpu.core_type = #tpu.core_type<tc>, window_params = [{transform_indices = @transform_0, window_bounds = array<i64: 2, 1000, 64>}, {transform_indices = @transform_1, window_bounds = array<i64: 1000, 1>}, {pipeline_mode = #tpu.pipeline_mode<synchronous>, transform_indices = @transform_2, window_bounds = array<i64: 64>}, {transform_indices = @transform_3, window_bounds = array<i64: 1000, 64>}]} {
    %get3A = arith.constant 0 : index
    %get3A_0 = arith.constant 0 : index
    %get3A_1 = vector.load %arg2[%get3A, %get3A_0] : memref<1000x1xf32, #tpu.memory_space<vmem>>, vector<1000x1xf32>
    %get3A_2 = arith.constant 0 : index
    %get3A_3 = arith.constant 0 : index
    %get3A_4 = arith.constant 0 : index
    %get3A_5 = vector.load %arg1[%get3A_2, %get3A_3, %get3A_4] : memref<2x1000x64xf32, #tpu.memory_space<vmem>>, vector<1x1000x64xf32>
    %get3A_6 = vector.shape_cast %get3A_5 : vector<1x1000x64xf32> to vector<1000x64xf32>
    %get3A_7 = arith.constant 1 : index
    %get3A_8 = arith.constant 0 : index
    %get3A_9 = arith.constant 0 : index
    %get3A_10 = vector.load %arg1[%get3A_7, %get3A_8, %get3A_9] : memref<2x1000x64xf32, #tpu.memory_space<vmem>>, vector<1x1000x64xf32>
    %get3A_11 = vector.shape_cast %get3A_10 : vector<1x1000x64xf32> to vector<1000x64xf32>
    %add3A = arith.addf %get3A_6, %get3A_11 : vector<1000x64xf32>
    %mul3A = vector.broadcast %get3A_1 : vector<1000x1xf32> to vector<1000x64xf32>
    %mul3A_12 = arith.mulf %mul3A, %add3A : vector<1000x64xf32>
    %get3A_13 = arith.constant 0 : index
    %get3A_14 = vector.load %arg3[%get3A_13] : memref<64xf32, #tpu.memory_space<vmem>>, vector<64xf32>
    %broadcast_in_dim3A = vector.shape_cast %get3A_14 : vector<64xf32> to vector<1x64xf32>
    %add3A_15 = vector.broadcast %broadcast_in_dim3A : vector<1x64xf32> to vector<1000x64xf32>
    %add3A_16 = arith.addf %mul3A_12, %add3A_15 : vector<1000x64xf32>
    %swap3A = arith.constant 0 : index
    %swap3A_17 = arith.constant 0 : index
    %swap3A_18 = vector.load %arg4[%swap3A, %swap3A_17] : memref<1000x64xf32, #tpu.memory_space<vmem>>, vector<1000x64xf32>
    tpu.vector_store %arg4[%swap3A, %swap3A_17], %add3A_16 {strides = array<i32>} : memref<1000x64xf32, #tpu.memory_space<vmem>>, vector<1000x64xf32>,
    return
  }
  func.func @transform_0(%arg0: i32) -> (i32, i32, i32) {
    %c0_i32 = arith.constant 0 : i32
    %c0_i32_0 = arith.constant 0 : i32
    %c0_i32_1 = arith.constant 0 : i32
    return %c0_i32, %arg0, %c0_i32_0 : i32, i32, i32
  }
  func.func @transform_1(%arg0: i32) -> (i32, i32) {
    %c0_i32 = arith.constant 0 : i32
    %c0_i32_0 = arith.constant 0 : i32
    return %arg0, %c0_i32 : i32, i32
  }
  func.func @transform_2(%arg0: i32) -> i32 {
    %c0_i32 = arith.constant 0 : i32
    %c0_i32_0 = arith.constant 0 : i32
    return %c0_i32 : i32
  }
  func.func @transform_3(%arg0: i32) -> (i32, i32) {
    %c0_i32 = arith.constant 0 : i32
    %c0_i32_0 = arith.constant 0 : i32
    return %arg0, %c0_i32 : i32, i32
  }
}

</mosaic_0001>

<sc_bundles>
// kernel: kernel.15.cloned.1.call-start
scs
__scs_entry_jumppad:
0x0: {  	(pc) =	sbr.rel $0x88, $3  }
0x1: {  	(tag) =	ssettag $0x0;
	lr =	simm.s32 $0x1  }
0x2: {  	[smem:$0x3F97] =	sst lr;
	_ =	strace $0xD0000000  }
0x3: {  	_ = 	snop  }
0x4: {  	_ = 	snop  }
0x5: {  	_ = 	snop  }
0x6: {  	_ = 	snop  }
0x7: {  	_ = 	snop  }
__scs_overlays_trampoline_lowered:
0x8: {  	[smem:$0x3FA6] =	sst s0  }
0x9: {  	[smem:$0x3FA7] =	sst s1  }
0xa: {  	[smem:$0x3FA8] =	sst s2  }
0xb: {  	[smem:$0x3FA9] =	sst s3  }
0xc: {  	[smem:$0x3FAA] =	sst s4  }
0xd: {  	[smem:$0x3FAB] =	sst s5  }
0xe: {  	[smem:$0x3FAC] =	sst s6  }
0xf: {  	[smem:$0x3FAD] =	sst s7  }
0x10: {  	[smem:$0x3FAE] =	sst s8  }
0x11: {  	[smem:$0x3FAF] =	sst s9;
	s0 =	simm.s32 @!p0 $0x0  }
0x12: {  	s1 =	sld [smem:$0x3F95];
	s0 =	simm.s32 @p0 $0x1  }
0x13: {  	[smem:$0x3FB0] =	sst s0;
	s0 =	simm.s32 @!p1 $0x0  }
0x14: {  	s2 =	sld [smem:$0x3F94];
	s0 =	simm.s32 @p1 $0x1  }
0x15: {  	[smem:$0x3FB1] =	sst s0;
	s0 =	simm.s32 @!p2 $0x0  }
0x16: {  	s3 =	sld [smem:$0x3FDB];
	s0 =	simm.s32 @p2 $0x1  }
0x17: {  	s4 =	simm.s32 $0x1BF5;
	[smem:$0x3FB3] =	sst s0  }
0x18: {  	s0 =	sld [smem:$0x3F96];
	_ =	swait.ge [sflag:s4], $0x0  }
0x19: {  	s7 =	sld [smem:$0x3F97]  }
0x1a: {  	s8 =	sadd.s32 $0xFFFFE003, lr  }
0x1b: {  	s9 =	sadd.s32 $0xFFFFFEF7, lr;
	s5 =	simm.s32 $0xFFFFFFFF;
	p2 =	slt.u32 s8, $0xFFFFF086  }
0x1c: {  	p1 =	slt.u32 s9, $0xF7A;
	s5 =	simm.s32 @!p2 $0x0  }
0x1d: {  	s5 =	simm.s32 @p1 $0x1;
	p0 =	seq.s32 s7, s2  }
0x1e: {  	s7 =	smul.u32 @!p0 $0xF7A, s2;
	p2 =	seq.s32 @!p0 s5, $0x0  }
0x1f: {  	s9 =	smul.u32 $0xF7A, s1;
	s8 =	simm.s32 @!p0 $0x1BF5;
	p2 =	por !p2, p0  }
0x20: {  	[sflag:s8] =	ssyncset.s32 @!p0 $0xFFFFF086;
	s6 =	sadd.s32 @!p0 s3, s7;
	s7 =	simm.s32 @!p0 $0x108  }
0x21: {  	s3 =	sadd.s32 s3, s9;
	s6 =	sadd.s32 @!p0 $0x88, s6;
	s7 =	simm.s32 @p2 $0x1082  }
0x22: {  	[simem:s7], [sflag:s8] =	dma.local @!p0 [hbm:s6], $0xF7A  }
0x23: {  	s9 =	sor.u32 $0xD0000000, s2;
	s6 =	simm.s32 $0x108;
	_ =	swait.ge @!p0 [sflag:s8], $0x0  }
0x24: {  	s3 =	sadd.s32 $0x88, s3;
	s6 =	simm.s32 @!p1 $0x1082;
	[sflag:s4] =	ssyncset.s32 $0xFFFFF086  }
0x25: {  	[simem:s6], [sflag:s4] =	dma.local [hbm:s3], $0xF7A  }
0x26: {  	[smem:$0x3F97] =	sst s1;
	(tag) =	ssettag s2;
	_ =	strace s9  }
0x27: {  	s1 =	sld [smem:$0x3FA7]  }
0x28: {  	s2 =	sld [smem:$0x3FA8]  }
0x29: {  	s4 =	sld [smem:$0x3FAA]  }
0x2a: {  	p0 =	seq.s32 s5, $0x0;
	s5 =	sld [smem:$0x3FAB]  }
0x2b: {  	s6 =	sld [smem:$0x3FAC]  }
0x2c: {  	s7 =	sld [smem:$0x3FAD]  }
0x2d: {  	s3 =	simm.s32 $0x108;
	s8 =	sld [smem:$0x3FAE]  }
0x2e: {  	s3 =	simm.s32 @!p0 $0x1082;
	s9 =	sld [smem:$0x3FAF]  }
0x2f: {  	lr =	sadd.s32 s0, s3;
	s0 =	sld [smem:$0x3FA6]  }
0x30: {  	s3 =	sld [smem:$0x3FA9]  }
0x31: {  	[smem:$0x3FB2] =	sst s10  }
0x32: {  	s10 =	sld [smem:$0x3FB0];
	_ =	sdelay $0x3  }
0x33: {  	p0 =	seq.s32 s10, $0x1;
	s10 =	sld [smem:$0x3FB2];
	_ =	sdelay $0x3  }
0x34: {  	[smem:$0x3FB2] =	sst s10  }
0x35: {  	s10 =	sld [smem:$0x3FB1];
	_ =	sdelay $0x3  }
0x36: {  	p1 =	seq.s32 s10, $0x1;
	s10 =	sld [smem:$0x3FB2];
	_ =	sdelay $0x3  }
0x37: {  	[smem:$0x3FB2] =	sst s10  }
0x38: {  	s10 =	sld [smem:$0x3FB3]  }
0x39: {  	_ = 	snop;
	(pc) =	sbr.ind lr, $3  }
0x3a: {  	_ = 	snop  }
0x3b: {  	_ = 	snop  }
0x3c: {  	p2 =	seq.s32 s10, $0x1;
	s10 =	sld [smem:$0x3FB2]  }
0x3d: {  	_ =	shalt  }
0x3e: {  	_ =	shalt  }
0x3f: {  	_ =	shalt  }
0x40: {  	_ =	shalt  }
0x41: {  	_ =	shalt  }
0x42: {  	_ =	shalt  }
0x43: {  	_ =	shalt  }
0x44: {  	_ =	shalt  }
0x45: {  	_ =	shalt  }
0x46: {  	_ =	shalt  }
0x47: {  	_ =	shalt  }
0x48: {  	_ =	shalt  }
0x49: {  	_ =	shalt  }
0x4a: {  	_ =	shalt  }
0x4b: {  	_ =	shalt  }
0x4c: {  	_ =	shalt  }
0x4d: {  	_ =	shalt  }
0x4e: {  	_ =	shalt  }
0x4f: {  	_ =	shalt  }
0x50: {  	_ =	shalt  }
0x51: {  	_ =	shalt  }
0x52: {  	_ =	shalt  }
0x53: {  	_ =	shalt  }
0x54: {  	_ =	shalt  }
0x55: {  	_ =	shalt  }
0x56: {  	_ =	shalt  }
0x57: {  	_ =	shalt  }
0x58: {  	_ =	shalt  }
0x59: {  	_ =	shalt  }
0x5a: {  	_ =	shalt  }
0x5b: {  	_ =	shalt  }
0x5c: {  	_ =	shalt  }
0x5d: {  	_ =	shalt  }
0x5e: {  	_ =	shalt  }
0x5f: {  	_ =	shalt  }
0x60: {  	_ =	shalt  }
0x61: {  	_ =	shalt  }
0x62: {  	_ =	shalt  }
0x63: {  	_ =	shalt  }
0x64: {  	_ =	shalt  }
0x65: {  	_ =	shalt  }
0x66: {  	_ =	shalt  }
0x67: {  	_ =	shalt  }
0x68: {  	_ =	shalt  }
0x69: {  	_ =	shalt  }
0x6a: {  	_ =	shalt  }
0x6b: {  	_ =	shalt  }
0x6c: {  	_ =	shalt  }
0x6d: {  	_ =	shalt  }
0x6e: {  	_ =	shalt  }
0x6f: {  	_ =	shalt  }
0x70: {  	_ =	shalt  }
0x71: {  	_ =	shalt  }
0x72: {  	_ =	shalt  }
0x73: {  	_ =	shalt  }
0x74: {  	_ =	shalt  }
0x75: {  	_ =	shalt  }
0x76: {  	_ =	shalt  }
0x77: {  	_ =	shalt  }
0x78: {  	_ =	shalt  }
0x79: {  	_ =	shalt  }
0x7a: {  	_ =	shalt  }
0x7b: {  	_ =	shalt  }
0x7c: {  	_ =	shalt  }
0x7d: {  	_ =	shalt  }
0x7e: {  	_ =	shalt  }
0x7f: {  	_ =	shalt  }
0x80: {  	_ =	shalt  }
0x81: {  	_ =	shalt  }
0x82: {  	_ =	shalt  }
0x83: {  	_ =	shalt  }
0x84: {  	_ =	shalt  }
0x85: {  	_ =	shalt  }
0x86: {  	_ =	shalt  }
0x87: {  	_ =	shalt  }
.Lfunc_end0:
.L_simem_size_0:
called_computation_lowered:
.L_overlay_start_0:
0x88: {  	s2 =	sld [smem:$0x3FD9]  }
0x89: {  	s3 =	sld [smem:$0x3FFE];
	_ =	sdelay $0x1  }
0x8a: {  	s1 =	srdreg.scid  }
0x8b: {  	s0 =	sand.u32 $0x1, s1  }
0x8c: {  	s17 =	sshll.u32 s0, $0xA;
	s2 =	sadd.s32 s3, s2  }
0x8d: {  	s2 =	sadd.s32 s2, s17  }
0x8e: {  	[smem:$0x3FBE] =	sst s2  }
0x8f: {  	_ = 	snop  }
0x90: {  	s2 =	sld [smem:$0x3FD0];
	(tm) =	ssettm $0x1  }
0x91: {  	s18 =	sld [smem:$0x3FFB];
	_ =	sdelay $0x3  }
0x92: {  	_ =	strace s18  }
0x93: {  	s3 =	sld [smem:$0x3FFC];
	_ =	sdelay $0x3  }
0x94: {  	_ =	strace s3  }
0x95: {  	s3 =	sld [smem:$0x3FFD];
	_ =	sdelay $0x3  }
0x96: {  	_ =	strace s3  }
0x97: {  	_ =	strace $0x8FFFFFFF  }
0x98: {  	s19 =	sld [smem:$0x3FDB];
	_ =	sdelay $0x1  }
0x99: {  	s4 =	simm.s32 $_scs_section_size  }
0x9a: {  	s5 =	simm.s32 $_size__tile_overlayer_lowered;
	s6 =	simm.s32 $_tile_overlayer_lowered  }
0x9b: {  	s22 =	simm.s32 $0x1BFF;
	s21 =	sshll.u32 s6, $0x1;
	s3 =	sadd.s32 s4, s19  }
0x9c: {  	s7 =	simm.s32 $0x0;
	s20 =	sshll.u32 s5, $0x1;
	s5 =	sadd.s32 s21, s3  }
0x9d: {  	[timem:s7], [sflag:s22] =	dma.local [hbm:s5], s20  }
0x9e: {  	_ =	swait.ge [sflag:s22], s20  }
0x9f: {  	s4 =	ssub.s32 $0x0, s20;
	[sflag:s22] =	ssyncset.done $0x0  }
0xa0: {  	[sflag:s22] =	ssyncadd.s32 s4;
	_ =	sdelay $0x1  }
0xa1: {  	s23 =	simm.s32 $0x1B8B  }
0xa2: {  	_ =	swait.ge [sflag:s23], $0x1  }
0xa3: {  	[sflag:s23] =	ssyncset.done $0x0  }
0xa4: {  	s25 =	simm.s32 $0x1B8E;
	s24 =	sld [smem:$0x3FFE];
	[sflag:s23] =	ssyncadd.s32 $0xFFFFFFFF  }
0xa5: {  	s26 =	simm.s32 $execute0_lowered;
	[smem:$0x3FD2] =	sst s25  }
0xa6: {  	s5 =	sshll.u32 s26, $0x1;
	_ =	strace $0x80000046;
	[dreg:$0x1] =	wrdreg $0xFFFFFFFF  }
0xa7: {  	s28 =	simm.s32 $_size_execute0_lowered;
	s3 =	sadd.s32 s3, s5;
	[dreg:$0x0] =	wrdreg $0x0  }
0xa8: {  	s5 =	sshll.u32 s28, $0x1;
	[dreg:$0x2] =	wrdreg s3  }
0xa9: {  	[dreg:$0x3] =	wrdreg s5  }
0xaa: {  	[dreg:$0x4] =	wrdreg $0xC0  }
0xab: {  	_ =	task [dreg:s7], $0x5FFFF  }
0xac: {  	[dreg:$0x1] =	wrdreg $0xFFFFFFFF  }
0xad: {  	[dreg:$0x0] =	wrdreg $0x60  }
0xae: {  	[dreg:$0x2] =	wrdreg s24  }
0xaf: {  	[dreg:$0x3] =	wrdreg s2  }
0xb0: {  	[dreg:$0x4] =	wrdreg $0x5500  }
0xb1: {  	[dreg:$0x5] =	wrdreg $0x9  }
0xb2: {  	_ =	task.clear_ibuf [dreg:s7], $0x6FFFF;
	_ =	strace $0x90000046  }
0xb3: {  	s29 =	simm.s32 $0x9;
	_ =	strace $0x80000048  }
0xb4: {  	_ =	swait.ge [sflag:s29], $0x1  }
0xb5: {  	[sflag:s29] =	ssyncadd.s32 $0xFFFFFFFF  }
0xb6: {  	_ =	strace $0x90000048  }
0xb7: {  	_ =	sfence  }
0xb8: {  	s30 =	sld [smem:$0x0];
	_ =	sdelay $0x2  }
0xb9: {  	s31 =	sshll.u32 s1, $0xD;
	s1 =	sshrl.u32 s1, $0x2  }
0xba: {  	s3 =	sand.u32 $0x4000, s31;
	s1 =	sadd.s32 s1, s30  }
0xbb: {  	s0 =	sor.u32 s3, s0;
	s1 =	sshll.u32 s1, $0x11  }
0xbc: {  	s0 =	sor.u32 s1, s0  }
0xbd: {  	s0 =	sadd.s32 $0x8F2B, s0  }
0xbe: {  	[sflag:s0] =	ssyncadd.remote.s32 $0x1  }
0xbf: {  	_ =	sfence.sel $0xFFFF  }
0xc0: {  	[dreg:$0x0] =	wrdreg $0xFFFFFFFF;
	(pc) =	sbr.abs _section_cstart, $3  }
0xc1: {  	[dreg:$0x1] =	wrdreg $0xFFFFFFFF  }
0xc2: {  	_ =	task.clear_ibuf [dreg:s7], $0x2FFFF;
	_ =	strace $0x9FFFFFFF  }
0xc3: {  	(tm) =	ssettm $0x7FFFFFFF  }
tec
execute0_lowered:
.L_overlay_start_1:
0x0: {  	(tag) =	ssettag $0x1  }
0x1: {  	s3 =	rddreg [dreg:$0x0]  }
0x2: {  	s4 =	rddreg [dreg:$0x1]  }
0x3: {  	s0 =	srdreg.scid;
	s1 =	rddreg [dreg:$0x2]  }
0x4: {  	s6 =	stileid.u32;
	s2 =	simm.s32 $0x0;
	s10 =	simm.s32 $0x0  }
0x5: {  	s5 =	sand.u32 $0x1, s0;
	s0 =	rddreg [dreg:$0x3];
	s8 =	smul.u32 $0x2710, s6  }
0x6: {  	[smem:$0x7FF] =	sst s2;
	s7 =	smul.u32 $0x27100, s5;
	s31 =	ssub.s32 $0x2, s5  }
0x7: {  	p0 =	sne.s32 s6, $0x0;
	s5 =	smul.u32 $0x4E20, s5;
	s9 =	sshrl.u32 s31, $0x1  }
0x8: {  	_ =	strace $0x80000047;
	s7 =	sadd.s32 s8, s7;
	s8 =	ssub.s32 s31, s9  }
0x9: {  	s4 =	sadd.s32 s4, s5;
	s9 =	simm.s32 $0x50;
	s7 =	sshrl.u32 s7, $0x3  }
0xa: {  	s5 =	smax.u32 s8, $0x1;
	s8 =	simm.s32 $0x1;
	s7 =	sadd.s32 s7, s3  }
0xb: {  	v0 =	vimm.f32 $1.000000000e+00;
	s3 =	sadd.s32 $0x16E00, s3;
	s6 =	sadd.s32 $0xD000, s7;
	s7 =	sshrl.u32 @!p0 s1, $0x3  }
.LBB2_1:
0xc: {  	s11 =	simm.s32 $0x40;
	s12 =	simm.s32 $0x0  }
.LBB2_2:
0xd: {  	p1 =	sne.s32 s11, $0x13C0;
	[tilespmem:s12+$0x50] =	vst v0;
	s12 =	smov.u32 s11;
	s11 =	sadd.s32 $0x40, s11  }
.Ltmp0:
0xe: {  	(pc) =	sbr.rel @p1 .LBB2_2-.Ltmp0, $2  }
0xf: {  	_ =	sdelay $0x2  }
0x10: {  	s12 =	sshra.s32 s12, $0x2  }
0x11: {  	[tilespmem:s12+$0x50] =	vst v0;
	s11 =	simm.s32 @!p0 $0x1C01  }
0x12: {  	[spmem:s7], [sflag:s11] =	dma.local @!p0 [hbm:s3], $0x4E20  }
0x13: {  	s11 =	simm.s32 @!p0 $0x1  }
0x14: {  	_ =	swait.ge @!p0 [sflag:s11], $0x4E20  }
0x15: {  	[sflag:s11] =	ssyncset.done @!p0 $0x0  }
0x16: {  	[sflag:s11] =	ssyncadd.s32 @!p0 $0xFFFFB1E0  }
0x17: {  	s31 =	sadd.s32 $0x0, s6;
	[bflag:$0x0] =	sbarrier.arrive $0xFFFF  }
0x18: {  	[tilespmem:s2], [sflag:$0x1] =	stream.linear.gather [hbm4b:s31+s2], $0x50, $0x38;
	[tilespmem:$0x2C60] =	vst v63  }
0x19: {  	_ =	swait.ge [sflag:s8], $0x50  }
0x1a: {  	[sflag:s8] =	ssyncset.done $0x0  }
0x1b: {  	[sflag:s8] =	ssyncadd.s32 $0xFFFFFFB0  }
0x1c: {  	[spmem:s1] =	stream.indirect.scatter.add.f32 [tilespmem:s9], [sflag:$0x1], $0x10, s2, s9, $0xb8;
	[tilespmem:$0x2C60] =	vst v63  }
0x1d: {  	_ =	swait.ge [sflag:s8], $0x500  }
0x1e: {  	s12 =	simm.s32 $0x14;
	s11 =	simm.s32 $0xA;
	[sflag:s8] =	ssyncset.done $0x0  }
.LBB2_4:
0x1f: {  	s13 =	sadd.s32 s11, s6  }
0x20: {  	[sflag:s8] =	ssyncadd.s32 $0xFFFFFB00;
	s11 =	smov.u32 s12;
	s14 =	sadd.s32 $0xA, s12  }
0x21: {  	[tilespmem:s2], [sflag:$0x1] =	stream.linear.gather [hbm4b:s13+s2], $0x50, $0x38;
	[tilespmem:$0x2C60] =	vst v63  }
0x22: {  	p1 =	sne.s32 s12, $0x4D8;
	_ =	swait.ge [sflag:s8], $0x50  }
.Ltmp1:
0x23: {  	[sflag:s8] =	ssyncset.done $0x0;
	(pc) =	sbr.rel @p1 .LBB2_4-.Ltmp1, $4  }
0x24: {  	[sflag:s8] =	ssyncadd.s32 $0xFFFFFFB0  }
0x25: {  	[spmem:s1] =	stream.indirect.scatter.add.f32 [tilespmem:s9], [sflag:$0x1], $0x10, s2, s9, $0xb8;
	[tilespmem:$0x2C60] =	vst v63  }
0x26: {  	_ =	swait.ge [sflag:s8], $0x500  }
0x27: {  	s12 =	smov.u32 s14;
	[sflag:s8] =	ssyncset.done $0x0  }
0x28: {  	s11 =	sadd.s32 s11, s6;
	[sflag:s8] =	ssyncadd.s32 $0xFFFFFB00  }
0x29: {  	[tilespmem:s2], [sflag:$0x1] =	stream.linear.gather [hbm4b:s11+s2], $0x50, $0x38;
	[tilespmem:$0x2C60] =	vst v63  }
0x2a: {  	_ =	swait.ge [sflag:s8], $0x50  }
0x2b: {  	[sflag:s8] =	ssyncset.done $0x0  }
0x2c: {  	[sflag:s8] =	ssyncadd.s32 $0xFFFFFFB0  }
0x2d: {  	[spmem:s1] =	stream.indirect.scatter.add.f32 [tilespmem:s9], [sflag:$0x1], $0x10, s2, s9, $0xb8;
	[tilespmem:$0x2C60] =	vst v63  }
0x2e: {  	_ =	swait.ge [sflag:s8], $0x500  }
0x2f: {  	[sflag:s8] =	ssyncset.done $0x0  }
0x30: {  	s10 =	sadd.s32 $0x1, s10;
	[sflag:s8] =	ssyncadd.s32 $0xFFFFFB00  }
0x31: {  	s11 =	simm.s32 @!p0 $0x1C01;
	p1 =	sne.s32 s10, s5;
	[bflag:$0x0] =	sbarrier.arrive $0xFFFF  }
0x32: {  	[hbm:s4], [sflag:s11] =	dma.local @!p0 [spmem:s7], $0x4E20  }
.Ltmp2:
0x33: {  	_ = 	snop;
	(pc) =	sbr.rel @p1 .LBB2_1-.Ltmp2, $4  }
0x34: {  	s11 =	simm.s32 @!p0 $0x1  }
0x35: {  	_ =	swait.ge @!p0 [sflag:s11], $0x4E20  }
0x36: {  	[sflag:s11] =	ssyncset.done @!p0 $0x0  }
0x37: {  	[sflag:s11] =	ssyncadd.s32 @!p0 $0xFFFFB1E0  }
0x38: {  	_ =	sfence.sel $0x180000  }
0x39: {  	[bflag:$0x0] =	sbarrier.arrive $0xFFFF  }
0x3a: {  	_ =	strace $0x90000047  }
0x3b: {  	s0 =	sadd.s32 @!p0 $0x100000, s0;
	[bflag:$0x2] =	sbarrier.arrive $0xFFFF  }
0x3c: {  	[sflag:s0] =	ssyncadd.tile.s32 @!p0 $0x1;
	_ =	shalt  }
.Lfunc_end2:
_tile_overlayer_lowered:
.L_overlay_start_2:
0x3d: {  	(tag) =	ssettag $0x2  }
0x3e: {  	s0 =	rddreg [dreg:$0x0];
	s2 =	stileid.u32  }
0x3f: {  	s1 =	rddreg [dreg:$0x1];
	p0 =	sne.s32 s2, $0x0  }
0x40: {  	s3 =	rddreg [dreg:$0x2];
	[bflag:$0x3] =	sbarrier.arrive $0xFFFF;
	s2 =	simm.s32 @!p0 $0x1C01  }
0x41: {  	[timem:s3], [sflag:s2] =	dma.local @!p0 [hbm:s0], s1  }
0x42: {  	s0 =	simm.s32 @!p0 $0x1  }
0x43: {  	_ =	swait.ge @!p0 [sflag:s0], s1  }
0x44: {  	s1 =	ssub.s32 @!p0 $0x0, s1;
	[sflag:s0] =	ssyncset.done @!p0 $0x0  }
0x45: {  	[sflag:s0] =	ssyncadd.s32 @!p0 s1  }
0x46: {  	[bflag:$0x3] =	sbarrier.arrive $0xFFFF  }
0x47: {  	_ =	shalt  }

// kernel: kernel.18.cloned.1.call-start
scs
__scs_entry_jumppad:
0x0: {  	(pc) =	sbr.rel $0x88, $3  }
0x1: {  	(tag) =	ssettag $0x0;
	lr =	simm.s32 $0x1  }
0x2: {  	[smem:$0x3F97] =	sst lr;
	_ =	strace $0xD0000000  }
0x3: {  	_ = 	snop  }
0x4: {  	_ = 	snop  }
0x5: {  	_ = 	snop  }
0x6: {  	_ = 	snop  }
0x7: {  	_ = 	snop  }
__scs_overlays_trampoline_lowered:
0x8: {  	[smem:$0x3FA6] =	sst s0  }
0x9: {  	[smem:$0x3FA7] =	sst s1  }
0xa: {  	[smem:$0x3FA8] =	sst s2  }
0xb: {  	[smem:$0x3FA9] =	sst s3  }
0xc: {  	[smem:$0x3FAA] =	sst s4  }
0xd: {  	[smem:$0x3FAB] =	sst s5  }
0xe: {  	[smem:$0x3FAC] =	sst s6  }
0xf: {  	[smem:$0x3FAD] =	sst s7  }
0x10: {  	[smem:$0x3FAE] =	sst s8  }
0x11: {  	[smem:$0x3FAF] =	sst s9;
	s0 =	simm.s32 @!p0 $0x0  }
0x12: {  	s1 =	sld [smem:$0x3F95];
	s0 =	simm.s32 @p0 $0x1  }
0x13: {  	[smem:$0x3FB0] =	sst s0;
	s0 =	simm.s32 @!p1 $0x0  }
0x14: {  	s2 =	sld [smem:$0x3F94];
	s0 =	simm.s32 @p1 $0x1  }
0x15: {  	[smem:$0x3FB1] =	sst s0;
	s0 =	simm.s32 @!p2 $0x0  }
0x16: {  	s3 =	sld [smem:$0x3FDB];
	s0 =	simm.s32 @p2 $0x1  }
0x17: {  	s4 =	simm.s32 $0x1BF5;
	[smem:$0x3FB3] =	sst s0  }
0x18: {  	s0 =	sld [smem:$0x3F96];
	_ =	swait.ge [sflag:s4], $0x0  }
0x19: {  	s7 =	sld [smem:$0x3F97]  }
0x1a: {  	s8 =	sadd.s32 $0xFFFFE003, lr  }
0x1b: {  	s9 =	sadd.s32 $0xFFFFFEF7, lr;
	s5 =	simm.s32 $0xFFFFFFFF;
	p2 =	slt.u32 s8, $0xFFFFF086  }
0x1c: {  	p1 =	slt.u32 s9, $0xF7A;
	s5 =	simm.s32 @!p2 $0x0  }
0x1d: {  	s5 =	simm.s32 @p1 $0x1;
	p0 =	seq.s32 s7, s2  }
0x1e: {  	s7 =	smul.u32 @!p0 $0xF7A, s2;
	p2 =	seq.s32 @!p0 s5, $0x0  }
0x1f: {  	s9 =	smul.u32 $0xF7A, s1;
	s8 =	simm.s32 @!p0 $0x1BF5;
	p2 =	por !p2, p0  }
0x20: {  	[sflag:s8] =	ssyncset.s32 @!p0 $0xFFFFF086;
	s6 =	sadd.s32 @!p0 s3, s7;
	s7 =	simm.s32 @!p0 $0x108  }
0x21: {  	s3 =	sadd.s32 s3, s9;
	s6 =	sadd.s32 @!p0 $0x88, s6;
	s7 =	simm.s32 @p2 $0x1082  }
0x22: {  	[simem:s7], [sflag:s8] =	dma.local @!p0 [hbm:s6], $0xF7A  }
0x23: {  	s9 =	sor.u32 $0xD0000000, s2;
	s6 =	simm.s32 $0x108;
	_ =	swait.ge @!p0 [sflag:s8], $0x0  }
0x24: {  	s3 =	sadd.s32 $0x88, s3;
	s6 =	simm.s32 @!p1 $0x1082;
	[sflag:s4] =	ssyncset.s32 $0xFFFFF086  }
0x25: {  	[simem:s6], [sflag:s4] =	dma.local [hbm:s3], $0xF7A  }
0x26: {  	[smem:$0x3F97] =	sst s1;
	(tag) =	ssettag s2;
	_ =	strace s9  }
0x27: {  	s1 =	sld [smem:$0x3FA7]  }
0x28: {  	s2 =	sld [smem:$0x3FA8]  }
0x29: {  	s4 =	sld [smem:$0x3FAA]  }
0x2a: {  	p0 =	seq.s32 s5, $0x0;
	s5 =	sld [smem:$0x3FAB]  }
0x2b: {  	s6 =	sld [smem:$0x3FAC]  }
0x2c: {  	s7 =	sld [smem:$0x3FAD]  }
0x2d: {  	s3 =	simm.s32 $0x108;
	s8 =	sld [smem:$0x3FAE]  }
0x2e: {  	s3 =	simm.s32 @!p0 $0x1082;
	s9 =	sld [smem:$0x3FAF]  }
0x2f: {  	lr =	sadd.s32 s0, s3;
	s0 =	sld [smem:$0x3FA6]  }
0x30: {  	s3 =	sld [smem:$0x3FA9]  }
0x31: {  	[smem:$0x3FB2] =	sst s10  }
0x32: {  	s10 =	sld [smem:$0x3FB0];
	_ =	sdelay $0x3  }
0x33: {  	p0 =	seq.s32 s10, $0x1;
	s10 =	sld [smem:$0x3FB2];
	_ =	sdelay $0x3  }
0x34: {  	[smem:$0x3FB2] =	sst s10  }
0x35: {  	s10 =	sld [smem:$0x3FB1];
	_ =	sdelay $0x3  }
0x36: {  	p1 =	seq.s32 s10, $0x1;
	s10 =	sld [smem:$0x3FB2];
	_ =	sdelay $0x3  }
0x37: {  	[smem:$0x3FB2] =	sst s10  }
0x38: {  	s10 =	sld [smem:$0x3FB3]  }
0x39: {  	_ = 	snop;
	(pc) =	sbr.ind lr, $3  }
0x3a: {  	_ = 	snop  }
0x3b: {  	_ = 	snop  }
0x3c: {  	p2 =	seq.s32 s10, $0x1;
	s10 =	sld [smem:$0x3FB2]  }
0x3d: {  	_ =	shalt  }
0x3e: {  	_ =	shalt  }
0x3f: {  	_ =	shalt  }
0x40: {  	_ =	shalt  }
0x41: {  	_ =	shalt  }
0x42: {  	_ =	shalt  }
0x43: {  	_ =	shalt  }
0x44: {  	_ =	shalt  }
0x45: {  	_ =	shalt  }
0x46: {  	_ =	shalt  }
0x47: {  	_ =	shalt  }
0x48: {  	_ =	shalt  }
0x49: {  	_ =	shalt  }
0x4a: {  	_ =	shalt  }
0x4b: {  	_ =	shalt  }
0x4c: {  	_ =	shalt  }
0x4d: {  	_ =	shalt  }
0x4e: {  	_ =	shalt  }
0x4f: {  	_ =	shalt  }
0x50: {  	_ =	shalt  }
0x51: {  	_ =	shalt  }
0x52: {  	_ =	shalt  }
0x53: {  	_ =	shalt  }
0x54: {  	_ =	shalt  }
0x55: {  	_ =	shalt  }
0x56: {  	_ =	shalt  }
0x57: {  	_ =	shalt  }
0x58: {  	_ =	shalt  }
0x59: {  	_ =	shalt  }
0x5a: {  	_ =	shalt  }
0x5b: {  	_ =	shalt  }
0x5c: {  	_ =	shalt  }
0x5d: {  	_ =	shalt  }
0x5e: {  	_ =	shalt  }
0x5f: {  	_ =	shalt  }
0x60: {  	_ =	shalt  }
0x61: {  	_ =	shalt  }
0x62: {  	_ =	shalt  }
0x63: {  	_ =	shalt  }
0x64: {  	_ =	shalt  }
0x65: {  	_ =	shalt  }
0x66: {  	_ =	shalt  }
0x67: {  	_ =	shalt  }
0x68: {  	_ =	shalt  }
0x69: {  	_ =	shalt  }
0x6a: {  	_ =	shalt  }
0x6b: {  	_ =	shalt  }
0x6c: {  	_ =	shalt  }
0x6d: {  	_ =	shalt  }
0x6e: {  	_ =	shalt  }
0x6f: {  	_ =	shalt  }
0x70: {  	_ =	shalt  }
0x71: {  	_ =	shalt  }
0x72: {  	_ =	shalt  }
0x73: {  	_ =	shalt  }
0x74: {  	_ =	shalt  }
0x75: {  	_ =	shalt  }
0x76: {  	_ =	shalt  }
0x77: {  	_ =	shalt  }
0x78: {  	_ =	shalt  }
0x79: {  	_ =	shalt  }
0x7a: {  	_ =	shalt  }
0x7b: {  	_ =	shalt  }
0x7c: {  	_ =	shalt  }
0x7d: {  	_ =	shalt  }
0x7e: {  	_ =	shalt  }
0x7f: {  	_ =	shalt  }
0x80: {  	_ =	shalt  }
0x81: {  	_ =	shalt  }
0x82: {  	_ =	shalt  }
0x83: {  	_ =	shalt  }
0x84: {  	_ =	shalt  }
0x85: {  	_ =	shalt  }
0x86: {  	_ =	shalt  }
0x87: {  	_ =	shalt  }
.Lfunc_end0:
.L_simem_size_0:
called_computation.1_lowered:
.L_overlay_start_0:
0x88: {  	s2 =	sld [smem:$0x3FD9]  }
0x89: {  	s3 =	sld [smem:$0x3FFE];
	_ =	sdelay $0x1  }
0x8a: {  	s1 =	srdreg.scid  }
0x8b: {  	s0 =	sand.u32 $0x1, s1  }
0x8c: {  	s17 =	sshll.u32 s0, $0xA;
	s2 =	sadd.s32 s3, s2  }
0x8d: {  	s2 =	sadd.s32 s2, s17  }
0x8e: {  	[smem:$0x3FBE] =	sst s2  }
0x8f: {  	_ = 	snop  }
0x90: {  	s2 =	sld [smem:$0x3FD0];
	(tm) =	ssettm $0x1  }
0x91: {  	s18 =	sld [smem:$0x3FFB];
	_ =	sdelay $0x3  }
0x92: {  	_ =	strace s18  }
0x93: {  	s3 =	sld [smem:$0x3FFC];
	_ =	sdelay $0x3  }
0x94: {  	_ =	strace s3  }
0x95: {  	s3 =	sld [smem:$0x3FFD];
	_ =	sdelay $0x3  }
0x96: {  	_ =	strace s3  }
0x97: {  	_ =	strace $0x8FFFFFFF  }
0x98: {  	s19 =	sld [smem:$0x3FDB];
	_ =	sdelay $0x1  }
0x99: {  	s4 =	simm.s32 $_scs_section_size  }
0x9a: {  	s5 =	simm.s32 $_size__tile_overlayer_lowered;
	s6 =	simm.s32 $_tile_overlayer_lowered  }
0x9b: {  	s22 =	simm.s32 $0x1BFF;
	s21 =	sshll.u32 s6, $0x1;
	s3 =	sadd.s32 s4, s19  }
0x9c: {  	s7 =	simm.s32 $0x0;
	s20 =	sshll.u32 s5, $0x1;
	s5 =	sadd.s32 s21, s3  }
0x9d: {  	[timem:s7], [sflag:s22] =	dma.local [hbm:s5], s20  }
0x9e: {  	_ =	swait.ge [sflag:s22], s20  }
0x9f: {  	s4 =	ssub.s32 $0x0, s20;
	[sflag:s22] =	ssyncset.done $0x0  }
0xa0: {  	[sflag:s22] =	ssyncadd.s32 s4;
	_ =	sdelay $0x1  }
0xa1: {  	s23 =	simm.s32 $0x1B8B  }
0xa2: {  	_ =	swait.ge [sflag:s23], $0x1  }
0xa3: {  	[sflag:s23] =	ssyncset.done $0x0  }
0xa4: {  	s25 =	simm.s32 $0x1B8E;
	s24 =	sld [smem:$0x3FFE];
	[sflag:s23] =	ssyncadd.s32 $0xFFFFFFFF  }
0xa5: {  	s26 =	simm.s32 $execute0_lowered;
	[smem:$0x3FD2] =	sst s25  }
0xa6: {  	s5 =	sshll.u32 s26, $0x1;
	_ =	strace $0x80000049;
	[dreg:$0x1] =	wrdreg $0xFFFFFFFF  }
0xa7: {  	s28 =	simm.s32 $_size_execute0_lowered;
	s3 =	sadd.s32 s3, s5;
	[dreg:$0x0] =	wrdreg $0x0  }
0xa8: {  	s5 =	sshll.u32 s28, $0x1;
	[dreg:$0x2] =	wrdreg s3  }
0xa9: {  	[dreg:$0x3] =	wrdreg s5  }
0xaa: {  	[dreg:$0x4] =	wrdreg $0xC0  }
0xab: {  	_ =	task [dreg:s7], $0x5FFFF  }
0xac: {  	[dreg:$0x1] =	wrdreg $0xFFFFFFFF  }
0xad: {  	[dreg:$0x0] =	wrdreg $0x60  }
0xae: {  	[dreg:$0x2] =	wrdreg s2  }
0xaf: {  	[dreg:$0x3] =	wrdreg s24  }
0xb0: {  	[dreg:$0x4] =	wrdreg $0x14A00  }
0xb1: {  	[dreg:$0x5] =	wrdreg $0x9  }
0xb2: {  	_ =	task.clear_ibuf [dreg:s7], $0x6FFFF;
	_ =	strace $0x90000049  }
0xb3: {  	s29 =	simm.s32 $0x9;
	_ =	strace $0x8000004B  }
0xb4: {  	_ =	swait.ge [sflag:s29], $0x1  }
0xb5: {  	[sflag:s29] =	ssyncadd.s32 $0xFFFFFFFF  }
0xb6: {  	_ =	strace $0x9000004B  }
0xb7: {  	_ =	sfence  }
0xb8: {  	s30 =	sld [smem:$0x0];
	_ =	sdelay $0x2  }
0xb9: {  	s31 =	sshll.u32 s1, $0xD;
	s1 =	sshrl.u32 s1, $0x2  }
0xba: {  	s3 =	sand.u32 $0x4000, s31;
	s1 =	sadd.s32 s1, s30  }
0xbb: {  	s0 =	sor.u32 s3, s0;
	s1 =	sshll.u32 s1, $0x11  }
0xbc: {  	s0 =	sor.u32 s1, s0  }
0xbd: {  	s0 =	sadd.s32 $0x8F2B, s0  }
0xbe: {  	[sflag:s0] =	ssyncadd.remote.s32 $0x1  }
0xbf: {  	_ =	sfence.sel $0xFFFF  }
0xc0: {  	[dreg:$0x0] =	wrdreg $0xFFFFFFFF;
	(pc) =	sbr.abs _section_cstart, $3  }
0xc1: {  	[dreg:$0x1] =	wrdreg $0xFFFFFFFF  }
0xc2: {  	_ =	task.clear_ibuf [dreg:s7], $0x2FFFF;
	_ =	strace $0x9FFFFFFF  }
0xc3: {  	(tm) =	ssettm $0x7FFFFFFF  }
tec
execute0_lowered:
.L_overlay_start_1:
0x0: {  	(tag) =	ssettag $0x1  }
0x1: {  	s0 =	rddreg [dreg:$0x0]  }
0x2: {  	s1 =	srdreg.scid;
	s5 =	rddreg [dreg:$0x1]  }
0x3: {  	s15 =	stileid.u32;
	s2 =	rddreg [dreg:$0x2];
	s3 =	simm.s32 $0x0  }
0x4: {  	s12 =	simm.s32 $0x2;
	s13 =	simm.s32 $0x50;
	s14 =	simm.s32 $0xA0  }
0x5: {  	s6 =	sand.u32 $0x1, s1;
	s7 =	smul.u32 $0x2710, s15;
	s1 =	rddreg [dreg:$0x3]  }
0x6: {  	s17 =	simm.s32 $0x0;
	[smem:$0x7FF] =	sst s3;
	s4 =	smul.u32 $0x27100, s6  }
0x7: {  	p0 =	seq.s32 s15, $0x0;
	p2 =	sne.s32 s15, $0x0;
	s30 =	smul.u32 $0x13880, s6  }
0x8: {  	_ =	strace $0x8000004A;
	s31 =	ssub.s32 $0x2, s6;
	p1 =	seq.s32 s6, $0x1  }
0x9: {  	s6 =	sor.u32 s6, s15;
	s16 =	sshrl.u32 @!p2 s2, $0x3;
	s9 =	sshrl.u32 s31, $0x1  }
0xa: {  	p0 =	por !p0, !p1;
	p1 =	sne.s32 s6, $0x0;
	s4 =	sadd.s32 s7, s4  }
0xb: {  	s7 =	ssub.s32 s31, s9;
	p0 =	por !p0, !p0;
	s9 =	sshll.u32 @!p1 s15, $0x6  }
0xc: {  	s10 =	sshrl.u32 @!p1 s2, $0x3;
	s15 =	simm.s32 $0x1;
	s4 =	sshrl.u32 s4, $0x3  }
0xd: {  	s6 =	smax.u32 s7, $0x1;
	s9 =	sor.u32 @!p1 $0x1C02, s9;
	s11 =	sshrl.u32 @p0 s2, $0x3  }
0xe: {  	s8 =	sadd.s32 s4, s5;
	s4 =	sadd.s32 $0x16E00, s5;
	s5 =	sadd.s32 s30, s5  }
0xf: {  	s5 =	sadd.s32 $0x2A800, s5;
	s7 =	sadd.s32 $0xD000, s8;
	s8 =	sadd.s32 $0x3200, s8  }
.LBB2_1:
0x10: {  	[spmem:s10], [sflag:s9] =	dma.local @!p1 [hbm:s0], $0x13880  }
0x11: {  	s18 =	simm.s32 @!p1 $0x2  }
0x12: {  	_ =	swait.ge @!p1 [sflag:s18], $0x13880  }
0x13: {  	[sflag:s18] =	ssyncset.done @!p1 $0x0  }
0x14: {  	[sflag:s18] =	ssyncadd.s32 @!p1 $0xFFFEC780;
	s18 =	simm.s32 @p0 $0x1C02  }
0x15: {  	[spmem:s11], [sflag:s18] =	dma.local @p0 [hbm:s4], $0x13880  }
0x16: {  	s18 =	simm.s32 @p0 $0x2  }
0x17: {  	_ =	swait.ge @p0 [sflag:s18], $0x13880  }
0x18: {  	[sflag:s18] =	ssyncset.done @p0 $0x0  }
0x19: {  	[sflag:s18] =	ssyncadd.s32 @p0 $0xFFFEC780  }
0x1a: {  	s30 =	sadd.s32 $0x0, s8;
	[bflag:$0x0] =	sbarrier.arrive $0xFFFF  }
0x1b: {  	[tilespmem:s3], [sflag:$0x2] =	stream.linear.gather [hbm4b:s30+s3], $0x50, $0x38;
	[tilespmem:$0xB0E0] =	vst v63  }
0x1c: {  	_ =	swait.ge [sflag:s12], $0x50  }
0x1d: {  	[sflag:s12] =	ssyncset.done $0x0  }
0x1e: {  	s31 =	sadd.s32 $0x0, s7;
	[sflag:s12] =	ssyncadd.s32 $0xFFFFFFB0  }
0x1f: {  	[tilespmem:s13], [sflag:$0x2] =	stream.linear.gather [hbm4b:s31+s3], $0x50, $0x38;
	[tilespmem:$0xB0E0] =	vst v63  }
0x20: {  	_ =	swait.ge [sflag:s12], $0x50  }
0x21: {  	[sflag:s12] =	ssyncset.done $0x0  }
0x22: {  	[sflag:s12] =	ssyncadd.s32 $0xFFFFFFB0  }
0x23: {  	[tilespmem:s14], [sflag:$0x1] =	stream.indirect.gather [hbm4b:s0+s13], $0x40, s3, s13, $0xb8;
	[tilespmem:$0xB0E0] =	vst v63  }
0x24: {  	_ =	swait.ge [sflag:s15], $0x1400  }
0x25: {  	[sflag:s15] =	ssyncset.done $0x0  }
0x26: {  	[sflag:s15] =	ssyncadd.s32 $0xFFFFEC00  }
0x27: {  	[spmem:s2] =	stream.indirect.scatter.add.f32 [tilespmem:s14], [sflag:$0x2], $0x40, s13, s13, $0xb8;
	[tilespmem:$0xB0E0] =	vst v63  }
0x28: {  	_ =	swait.ge [sflag:s12], $0x1400  }
0x29: {  	s19 =	simm.s32 $0x14;
	s18 =	simm.s32 $0xA;
	[sflag:s12] =	ssyncset.done $0x0  }
.LBB2_2:
0x2a: {  	s20 =	sadd.s32 s18, s8  }
0x2b: {  	[sflag:s12] =	ssyncadd.s32 $0xFFFFEC00;
	s21 =	smov.u32 s19;
	s22 =	sadd.s32 $0xA, s19  }
0x2c: {  	[tilespmem:s3], [sflag:$0x2] =	stream.linear.gather [hbm4b:s20+s3], $0x50, $0x38;
	[tilespmem:$0xB0E0] =	vst v63  }
0x2d: {  	p3 =	sne.s32 s19, $0x4D8;
	_ =	swait.ge [sflag:s12], $0x50  }
0x2e: {  	[sflag:s12] =	ssyncset.done $0x0  }
0x2f: {  	s19 =	sadd.s32 s18, s7;
	s18 =	smov.u32 s21;
	[sflag:s12] =	ssyncadd.s32 $0xFFFFFFB0  }
0x30: {  	[tilespmem:s13], [sflag:$0x2] =	stream.linear.gather [hbm4b:s19+s3], $0x50, $0x38;
	[tilespmem:$0xB0E0] =	vst v63  }
0x31: {  	_ =	swait.ge [sflag:s12], $0x50  }
0x32: {  	[sflag:s12] =	ssyncset.done $0x0  }
0x33: {  	[sflag:s12] =	ssyncadd.s32 $0xFFFFFFB0  }
0x34: {  	[tilespmem:s14], [sflag:$0x1] =	stream.indirect.gather [hbm4b:s0+s13], $0x40, s3, s13, $0xb8;
	[tilespmem:$0xB0E0] =	vst v63  }
0x35: {  	_ =	swait.ge [sflag:s15], $0x1400  }
.Ltmp0:
0x36: {  	[sflag:s15] =	ssyncset.done $0x0;
	(pc) =	sbr.rel @p3 .LBB2_2-.Ltmp0, $4  }
0x37: {  	[sflag:s15] =	ssyncadd.s32 $0xFFFFEC00  }
0x38: {  	[spmem:s2] =	stream.indirect.scatter.add.f32 [tilespmem:s14], [sflag:$0x2], $0x40, s13, s13, $0xb8;
	[tilespmem:$0xB0E0] =	vst v63  }
0x39: {  	_ =	swait.ge [sflag:s12], $0x1400  }
0x3a: {  	s19 =	smov.u32 s22;
	[sflag:s12] =	ssyncset.done $0x0  }
0x3b: {  	s19 =	sadd.s32 s18, s8;
	[sflag:s12] =	ssyncadd.s32 $0xFFFFEC00  }
0x3c: {  	[tilespmem:s3], [sflag:$0x2] =	stream.linear.gather [hbm4b:s19+s3], $0x50, $0x38;
	[tilespmem:$0xB0E0] =	vst v63  }
0x3d: {  	_ =	swait.ge [sflag:s12], $0x50  }
0x3e: {  	[sflag:s12] =	ssyncset.done $0x0  }
0x3f: {  	s31 =	sadd.s32 s18, s7;
	[sflag:s12] =	ssyncadd.s32 $0xFFFFFFB0  }
0x40: {  	[tilespmem:s13], [sflag:$0x2] =	stream.linear.gather [hbm4b:s31+s3], $0x50, $0x38;
	[tilespmem:$0xB0E0] =	vst v63  }
0x41: {  	_ =	swait.ge [sflag:s12], $0x50  }
0x42: {  	[sflag:s12] =	ssyncset.done $0x0  }
0x43: {  	[sflag:s12] =	ssyncadd.s32 $0xFFFFFFB0  }
0x44: {  	[tilespmem:s14], [sflag:$0x1] =	stream.indirect.gather [hbm4b:s0+s13], $0x40, s3, s13, $0xb8;
	[tilespmem:$0xB0E0] =	vst v63  }
0x45: {  	_ =	swait.ge [sflag:s15], $0x1400  }
0x46: {  	[sflag:s15] =	ssyncset.done $0x0  }
0x47: {  	[sflag:s15] =	ssyncadd.s32 $0xFFFFEC00  }
0x48: {  	[spmem:s2] =	stream.indirect.scatter.add.f32 [tilespmem:s14], [sflag:$0x2], $0x40, s13, s13, $0xb8;
	[tilespmem:$0xB0E0] =	vst v63  }
0x49: {  	_ =	swait.ge [sflag:s12], $0x1400  }
0x4a: {  	[sflag:s12] =	ssyncset.done $0x0  }
0x4b: {  	s17 =	sadd.s32 $0x1, s17;
	[sflag:s12] =	ssyncadd.s32 $0xFFFFEC00  }
0x4c: {  	s18 =	simm.s32 @!p2 $0x1C02;
	p3 =	sne.s32 s17, s6;
	[bflag:$0x0] =	sbarrier.arrive $0xFFFF  }
0x4d: {  	[hbm:s5], [sflag:s18] =	dma.local @!p2 [spmem:s16], $0x13880  }
.Ltmp1:
0x4e: {  	_ = 	snop;
	(pc) =	sbr.rel @p3 .LBB2_1-.Ltmp1, $4  }
0x4f: {  	s18 =	simm.s32 @!p2 $0x2  }
0x50: {  	_ =	swait.ge @!p2 [sflag:s18], $0x13880  }
0x51: {  	[sflag:s18] =	ssyncset.done @!p2 $0x0  }
0x52: {  	[sflag:s18] =	ssyncadd.s32 @!p2 $0xFFFEC780  }
0x53: {  	_ =	sfence.sel $0x180000  }
0x54: {  	[bflag:$0x0] =	sbarrier.arrive $0xFFFF  }
0x55: {  	_ =	strace $0x9000004A  }
0x56: {  	s0 =	sadd.s32 @!p2 $0x100000, s1;
	[bflag:$0x2] =	sbarrier.arrive $0xFFFF  }
0x57: {  	[sflag:s0] =	ssyncadd.tile.s32 @!p2 $0x1;
	_ =	shalt  }
.Lfunc_end2:
_tile_overlayer_lowered:
.L_overlay_start_2:
0x58: {  	(tag) =	ssettag $0x2  }
0x59: {  	s0 =	rddreg [dreg:$0x0];
	s2 =	stileid.u32  }
0x5a: {  	s1 =	rddreg [dreg:$0x1];
	p0 =	sne.s32 s2, $0x0  }
0x5b: {  	s3 =	rddreg [dreg:$0x2];
	[bflag:$0x3] =	sbarrier.arrive $0xFFFF;
	s2 =	simm.s32 @!p0 $0x1C02  }
0x5c: {  	[timem:s3], [sflag:s2] =	dma.local @!p0 [hbm:s0], s1  }
0x5d: {  	s0 =	simm.s32 @!p0 $0x2  }
0x5e: {  	_ =	swait.ge @!p0 [sflag:s0], s1  }
0x5f: {  	s1 =	ssub.s32 @!p0 $0x0, s1;
	[sflag:s0] =	ssyncset.done @!p0 $0x0  }
0x60: {  	[sflag:s0] =	ssyncadd.s32 @!p0 s1  }
0x61: {  	[bflag:$0x3] =	sbarrier.arrive $0xFFFF  }
0x62: {  	_ =	shalt  }

// kernel: kernel.21.cloned.1.call-start
scs
__scs_entry_jumppad:
0x0: {  	(pc) =	sbr.rel $0x88, $3  }
0x1: {  	(tag) =	ssettag $0x0;
	lr =	simm.s32 $0x1  }
0x2: {  	[smem:$0x3F97] =	sst lr;
	_ =	strace $0xD0000000  }
0x3: {  	_ = 	snop  }
0x4: {  	_ = 	snop  }
0x5: {  	_ = 	snop  }
0x6: {  	_ = 	snop  }
0x7: {  	_ = 	snop  }
__scs_overlays_trampoline_lowered:
0x8: {  	[smem:$0x3FA6] =	sst s0  }
0x9: {  	[smem:$0x3FA7] =	sst s1  }
0xa: {  	[smem:$0x3FA8] =	sst s2  }
0xb: {  	[smem:$0x3FA9] =	sst s3  }
0xc: {  	[smem:$0x3FAA] =	sst s4  }
0xd: {  	[smem:$0x3FAB] =	sst s5  }
0xe: {  	[smem:$0x3FAC] =	sst s6  }
0xf: {  	[smem:$0x3FAD] =	sst s7  }
0x10: {  	[smem:$0x3FAE] =	sst s8  }
0x11: {  	[smem:$0x3FAF] =	sst s9;
	s0 =	simm.s32 @!p0 $0x0  }
0x12: {  	s1 =	sld [smem:$0x3F95];
	s0 =	simm.s32 @p0 $0x1  }
0x13: {  	[smem:$0x3FB0] =	sst s0;
	s0 =	simm.s32 @!p1 $0x0  }
0x14: {  	s2 =	sld [smem:$0x3F94];
	s0 =	simm.s32 @p1 $0x1  }
0x15: {  	[smem:$0x3FB1] =	sst s0;
	s0 =	simm.s32 @!p2 $0x0  }
0x16: {  	s3 =	sld [smem:$0x3FDB];
	s0 =	simm.s32 @p2 $0x1  }
0x17: {  	s4 =	simm.s32 $0x1BF5;
	[smem:$0x3FB3] =	sst s0  }
0x18: {  	s0 =	sld [smem:$0x3F96];
	_ =	swait.ge [sflag:s4], $0x0  }
0x19: {  	s7 =	sld [smem:$0x3F97]  }
0x1a: {  	s8 =	sadd.s32 $0xFFFFE003, lr  }
0x1b: {  	s9 =	sadd.s32 $0xFFFFFEF7, lr;
	s5 =	simm.s32 $0xFFFFFFFF;
	p2 =	slt.u32 s8, $0xFFFFF086  }
0x1c: {  	p1 =	slt.u32 s9, $0xF7A;
	s5 =	simm.s32 @!p2 $0x0  }
0x1d: {  	s5 =	simm.s32 @p1 $0x1;
	p0 =	seq.s32 s7, s2  }
0x1e: {  	s7 =	smul.u32 @!p0 $0xF7A, s2;
	p2 =	seq.s32 @!p0 s5, $0x0  }
0x1f: {  	s9 =	smul.u32 $0xF7A, s1;
	s8 =	simm.s32 @!p0 $0x1BF5;
	p2 =	por !p2, p0  }
0x20: {  	[sflag:s8] =	ssyncset.s32 @!p0 $0xFFFFF086;
	s6 =	sadd.s32 @!p0 s3, s7;
	s7 =	simm.s32 @!p0 $0x108  }
0x21: {  	s3 =	sadd.s32 s3, s9;
	s6 =	sadd.s32 @!p0 $0x88, s6;
	s7 =	simm.s32 @p2 $0x1082  }
0x22: {  	[simem:s7], [sflag:s8] =	dma.local @!p0 [hbm:s6], $0xF7A  }
0x23: {  	s9 =	sor.u32 $0xD0000000, s2;
	s6 =	simm.s32 $0x108;
	_ =	swait.ge @!p0 [sflag:s8], $0x0  }
0x24: {  	s3 =	sadd.s32 $0x88, s3;
	s6 =	simm.s32 @!p1 $0x1082;
	[sflag:s4] =	ssyncset.s32 $0xFFFFF086  }
0x25: {  	[simem:s6], [sflag:s4] =	dma.local [hbm:s3], $0xF7A  }
0x26: {  	[smem:$0x3F97] =	sst s1;
	(tag) =	ssettag s2;
	_ =	strace s9  }
0x27: {  	s1 =	sld [smem:$0x3FA7]  }
0x28: {  	s2 =	sld [smem:$0x3FA8]  }
0x29: {  	s4 =	sld [smem:$0x3FAA]  }
0x2a: {  	p0 =	seq.s32 s5, $0x0;
	s5 =	sld [smem:$0x3FAB]  }
0x2b: {  	s6 =	sld [smem:$0x3FAC]  }
0x2c: {  	s7 =	sld [smem:$0x3FAD]  }
0x2d: {  	s3 =	simm.s32 $0x108;
	s8 =	sld [smem:$0x3FAE]  }
0x2e: {  	s3 =	simm.s32 @!p0 $0x1082;
	s9 =	sld [smem:$0x3FAF]  }
0x2f: {  	lr =	sadd.s32 s0, s3;
	s0 =	sld [smem:$0x3FA6]  }
0x30: {  	s3 =	sld [smem:$0x3FA9]  }
0x31: {  	[smem:$0x3FB2] =	sst s10  }
0x32: {  	s10 =	sld [smem:$0x3FB0];
	_ =	sdelay $0x3  }
0x33: {  	p0 =	seq.s32 s10, $0x1;
	s10 =	sld [smem:$0x3FB2];
	_ =	sdelay $0x3  }
0x34: {  	[smem:$0x3FB2] =	sst s10  }
0x35: {  	s10 =	sld [smem:$0x3FB1];
	_ =	sdelay $0x3  }
0x36: {  	p1 =	seq.s32 s10, $0x1;
	s10 =	sld [smem:$0x3FB2];
	_ =	sdelay $0x3  }
0x37: {  	[smem:$0x3FB2] =	sst s10  }
0x38: {  	s10 =	sld [smem:$0x3FB3]  }
0x39: {  	_ = 	snop;
	(pc) =	sbr.ind lr, $3  }
0x3a: {  	_ = 	snop  }
0x3b: {  	_ = 	snop  }
0x3c: {  	p2 =	seq.s32 s10, $0x1;
	s10 =	sld [smem:$0x3FB2]  }
0x3d: {  	_ =	shalt  }
0x3e: {  	_ =	shalt  }
0x3f: {  	_ =	shalt  }
0x40: {  	_ =	shalt  }
0x41: {  	_ =	shalt  }
0x42: {  	_ =	shalt  }
0x43: {  	_ =	shalt  }
0x44: {  	_ =	shalt  }
0x45: {  	_ =	shalt  }
0x46: {  	_ =	shalt  }
0x47: {  	_ =	shalt  }
0x48: {  	_ =	shalt  }
0x49: {  	_ =	shalt  }
0x4a: {  	_ =	shalt  }
0x4b: {  	_ =	shalt  }
0x4c: {  	_ =	shalt  }
0x4d: {  	_ =	shalt  }
0x4e: {  	_ =	shalt  }
0x4f: {  	_ =	shalt  }
0x50: {  	_ =	shalt  }
0x51: {  	_ =	shalt  }
0x52: {  	_ =	shalt  }
0x53: {  	_ =	shalt  }
0x54: {  	_ =	shalt  }
0x55: {  	_ =	shalt  }
0x56: {  	_ =	shalt  }
0x57: {  	_ =	shalt  }
0x58: {  	_ =	shalt  }
0x59: {  	_ =	shalt  }
0x5a: {  	_ =	shalt  }
0x5b: {  	_ =	shalt  }
0x5c: {  	_ =	shalt  }
0x5d: {  	_ =	shalt  }
0x5e: {  	_ =	shalt  }
0x5f: {  	_ =	shalt  }
0x60: {  	_ =	shalt  }
0x61: {  	_ =	shalt  }
0x62: {  	_ =	shalt  }
0x63: {  	_ =	shalt  }
0x64: {  	_ =	shalt  }
0x65: {  	_ =	shalt  }
0x66: {  	_ =	shalt  }
0x67: {  	_ =	shalt  }
0x68: {  	_ =	shalt  }
0x69: {  	_ =	shalt  }
0x6a: {  	_ =	shalt  }
0x6b: {  	_ =	shalt  }
0x6c: {  	_ =	shalt  }
0x6d: {  	_ =	shalt  }
0x6e: {  	_ =	shalt  }
0x6f: {  	_ =	shalt  }
0x70: {  	_ =	shalt  }
0x71: {  	_ =	shalt  }
0x72: {  	_ =	shalt  }
0x73: {  	_ =	shalt  }
0x74: {  	_ =	shalt  }
0x75: {  	_ =	shalt  }
0x76: {  	_ =	shalt  }
0x77: {  	_ =	shalt  }
0x78: {  	_ =	shalt  }
0x79: {  	_ =	shalt  }
0x7a: {  	_ =	shalt  }
0x7b: {  	_ =	shalt  }
0x7c: {  	_ =	shalt  }
0x7d: {  	_ =	shalt  }
0x7e: {  	_ =	shalt  }
0x7f: {  	_ =	shalt  }
0x80: {  	_ =	shalt  }
0x81: {  	_ =	shalt  }
0x82: {  	_ =	shalt  }
0x83: {  	_ =	shalt  }
0x84: {  	_ =	shalt  }
0x85: {  	_ =	shalt  }
0x86: {  	_ =	shalt  }
0x87: {  	_ =	shalt  }
.Lfunc_end0:
.L_simem_size_0:
called_computation.2_lowered:
.L_overlay_start_0:
0x88: {  	s2 =	sld [smem:$0x3FD9]  }
0x89: {  	s3 =	sld [smem:$0x3FFE];
	_ =	sdelay $0x1  }
0x8a: {  	s1 =	srdreg.scid  }
0x8b: {  	s0 =	sand.u32 $0x1, s1  }
0x8c: {  	s17 =	sshll.u32 s0, $0xA;
	s2 =	sadd.s32 s3, s2  }
0x8d: {  	s2 =	sadd.s32 s2, s17  }
0x8e: {  	[smem:$0x3FBE] =	sst s2  }
0x8f: {  	_ = 	snop  }
0x90: {  	s2 =	sld [smem:$0x3FD0];
	(tm) =	ssettm $0x1  }
0x91: {  	s18 =	sld [smem:$0x3FFB];
	_ =	sdelay $0x3  }
0x92: {  	_ =	strace s18  }
0x93: {  	s3 =	sld [smem:$0x3FFC];
	_ =	sdelay $0x3  }
0x94: {  	_ =	strace s3  }
0x95: {  	s3 =	sld [smem:$0x3FFD];
	_ =	sdelay $0x3  }
0x96: {  	_ =	strace s3  }
0x97: {  	_ =	strace $0x8FFFFFFF  }
0x98: {  	s19 =	sld [smem:$0x3FDB];
	_ =	sdelay $0x1  }
0x99: {  	s4 =	simm.s32 $_scs_section_size  }
0x9a: {  	s5 =	simm.s32 $_size__tile_overlayer_lowered;
	s6 =	simm.s32 $_tile_overlayer_lowered  }
0x9b: {  	s22 =	simm.s32 $0x1BFF;
	s21 =	sshll.u32 s6, $0x1;
	s3 =	sadd.s32 s4, s19  }
0x9c: {  	s7 =	simm.s32 $0x0;
	s20 =	sshll.u32 s5, $0x1;
	s5 =	sadd.s32 s21, s3  }
0x9d: {  	[timem:s7], [sflag:s22] =	dma.local [hbm:s5], s20  }
0x9e: {  	_ =	swait.ge [sflag:s22], s20  }
0x9f: {  	s4 =	ssub.s32 $0x0, s20;
	[sflag:s22] =	ssyncset.done $0x0  }
0xa0: {  	[sflag:s22] =	ssyncadd.s32 s4;
	_ =	sdelay $0x1  }
0xa1: {  	s23 =	simm.s32 $0x1B8B  }
0xa2: {  	_ =	swait.ge [sflag:s23], $0x1  }
0xa3: {  	[sflag:s23] =	ssyncset.done $0x0  }
0xa4: {  	s25 =	simm.s32 $0x1B8E;
	s24 =	sld [smem:$0x3FFE];
	[sflag:s23] =	ssyncadd.s32 $0xFFFFFFFF  }
0xa5: {  	s26 =	simm.s32 $execute0_lowered;
	[smem:$0x3FD2] =	sst s25  }
0xa6: {  	s5 =	sshll.u32 s26, $0x1;
	_ =	strace $0x8000004C;
	[dreg:$0x1] =	wrdreg $0xFFFFFFFF  }
0xa7: {  	s28 =	simm.s32 $_size_execute0_lowered;
	s3 =	sadd.s32 s3, s5;
	[dreg:$0x0] =	wrdreg $0x0  }
0xa8: {  	s5 =	sshll.u32 s28, $0x1;
	[dreg:$0x2] =	wrdreg s3  }
0xa9: {  	[dreg:$0x3] =	wrdreg s5  }
0xaa: {  	[dreg:$0x4] =	wrdreg $0xC0  }
0xab: {  	_ =	task [dreg:s7], $0x5FFFF  }
0xac: {  	[dreg:$0x1] =	wrdreg $0xFFFFFFFF  }
0xad: {  	[dreg:$0x0] =	wrdreg $0x60  }
0xae: {  	[dreg:$0x2] =	wrdreg s24  }
0xaf: {  	[dreg:$0x3] =	wrdreg s2  }
0xb0: {  	[dreg:$0x4] =	wrdreg $0x5FF00  }
0xb1: {  	[dreg:$0x5] =	wrdreg $0x9  }
0xb2: {  	_ =	task.clear_ibuf [dreg:s7], $0x6FFFF;
	_ =	strace $0x9000004C  }
0xb3: {  	s29 =	simm.s32 $0x9;
	_ =	strace $0x8000004E  }
0xb4: {  	_ =	swait.ge [sflag:s29], $0x1  }
0xb5: {  	[sflag:s29] =	ssyncadd.s32 $0xFFFFFFFF  }
0xb6: {  	_ =	strace $0x9000004E  }
0xb7: {  	_ =	sfence  }
0xb8: {  	s30 =	sld [smem:$0x0];
	_ =	sdelay $0x2  }
0xb9: {  	s31 =	sshll.u32 s1, $0xD;
	s1 =	sshrl.u32 s1, $0x2  }
0xba: {  	s3 =	sand.u32 $0x4000, s31;
	s1 =	sadd.s32 s1, s30  }
0xbb: {  	s0 =	sor.u32 s3, s0;
	s1 =	sshll.u32 s1, $0x11  }
0xbc: {  	s0 =	sor.u32 s1, s0  }
0xbd: {  	s0 =	sadd.s32 $0x8F2B, s0  }
0xbe: {  	[sflag:s0] =	ssyncadd.remote.s32 $0x1  }
0xbf: {  	_ =	sfence.sel $0xFFFF  }
0xc0: {  	[dreg:$0x0] =	wrdreg $0xFFFFFFFF;
	(pc) =	sbr.abs _section_cstart, $3  }
0xc1: {  	[dreg:$0x1] =	wrdreg $0xFFFFFFFF  }
0xc2: {  	_ =	task.clear_ibuf [dreg:s7], $0x2FFFF;
	_ =	strace $0x9FFFFFFF  }
0xc3: {  	(tm) =	ssettm $0x7FFFFFFF  }
tec
execute0_lowered:
.L_overlay_start_1:
0x0: {  	(tag) =	ssettag $0x1  }
0x1: {  	s8 =	rddreg [dreg:$0x0]  }
0x2: {  	s1 =	rddreg [dreg:$0x1]  }
0x3: {  	s2 =	rddreg [dreg:$0x2]  }
0x4: {  	s0 =	rddreg [dreg:$0x3]  }
0x5: {  	s3 =	simm.s32 $0x0;
	s4 =	srdreg.scid;
	s11 =	stileid.u32  }
0x6: {  	s13 =	simm.s32 $0x50;
	s14 =	simm.s32 $0xF0;
	s16 =	simm.s32 $0x2DF0  }
0x7: {  	s17 =	simm.s32 $0xA0;
	[smem:$0x7FF] =	sst s3;
	s9 =	sand.u32 $0x1, s4  }
0x8: {  	s4 =	sadd.s32 $0x114E00, s8;
	s5 =	sadd.s32 $0x3200, s8;
	s6 =	sadd.s32 $0xD000, s8  }
0x9: {  	s7 =	sadd.s32 $0x78A00, s8;
	s10 =	smul.u32 $0x2BF20, s9;
	s31 =	ssub.s32 $0x2, s9  }
0xa: {  	p0 =	sne.s32 s11, $0x0;
	s15 =	smul.u32 $0x2710, s9;
	s12 =	sshrl.u32 s31, $0x1  }
0xb: {  	_ =	strace $0x8000004D;
	s10 =	sadd.s32 s10, s8;
	s12 =	ssub.s32 s31, s12  }
0xc: {  	s8 =	smul.u32 $0x4E20, s11;
	s11 =	sshrl.u32 @!p0 s2, $0x3;
	v0 =	vmov s15;
	s15 =	simm.s32 $0x1  }
0xd: {  	vm0 =	vmmov $0x3;
	s9 =	sadd.s32 $0xA4A00, s10;
	s10 =	smax.u32 s12, $0x1;
	s12 =	simm.s32 $0x2  }
.LBB2_1:
0xe: {  	s18 =	simm.s32 @!p0 $0x1C02  }
0xf: {  	[spmem:s11], [sflag:s18] =	dma.local @!p0 [hbm:s7], $0x2BF20  }
0x10: {  	s18 =	simm.s32 @!p0 $0x2  }
0x11: {  	_ =	swait.ge @!p0 [sflag:s18], $0x2BF20  }
0x12: {  	[sflag:s18] =	ssyncset.done @!p0 $0x0  }
0x13: {  	[sflag:s18] =	ssyncadd.s32 @!p0 $0xFFFD40E0  }
0x14: {  	s18 =	simm.s32 $0x0;
	[bflag:$0x0] =	sbarrier.arrive $0xFFFF  }
.LBB2_2:
0x15: {  	s19 =	smul.u32 $0x50, s18;
	_ =	sdelay $0x1  }
0x16: {  	s19 =	sadd.s32 s8, s19  }
0x17: {  	s20 =	sshrl.u32 s19, $0x3  }
0x18: {  	s29 =	simm.s32 $0x0;
	s21 =	sadd.s32 s5, s20  }
0x19: {  	[tilespmem:s29], [sflag:$0x2] =	stream.linear.gather [hbm4b:s21+s29], $0x50, $0x38;
	[tilespmem:$0x1BF80] =	vst v63  }
0x1a: {  	_ =	swait.ge [sflag:s12], $0x50  }
0x1b: {  	[sflag:s12] =	ssyncset.done $0x0  }
0x1c: {  	s20 =	sadd.s32 s6, s20;
	[sflag:s12] =	ssyncadd.s32 $0xFFFFFFB0  }
0x1d: {  	[tilespmem:s13], [sflag:$0x2] =	stream.linear.gather [hbm4b:s20+s29], $0x50, $0x38;
	[tilespmem:$0x1BF80] =	vst v63  }
0x1e: {  	_ =	swait.ge [sflag:s12], $0x50  }
0x1f: {  	[sflag:s12] =	ssyncset.done $0x0  }
0x20: {  	[sflag:s12] =	ssyncadd.s32 $0xFFFFFFB0  }
0x21: {  	v1 =	vld [tilespmem:$0x50]  }
0x22: {  	v2 =	vld [tilespmem:$0x0]  }
0x23: {  	v3 =	vld [tilespmem:$0x50]  }
0x24: {  	v4 =	vld [tilespmem:$0x60]  }
0x25: {  	v5 =	vld [tilespmem:$0x10]  }
0x26: {  	v59 =	vld [tilespmem:$0x80]  }
0x27: {  	[tilespmem:$0xA0] =	vst v1;
	v1 =	vadd.s32 v0, v2;
	v2 =	vld [tilespmem:$0x70]  }
0x28: {  	[tilespmem:$0x0] =	vst v1;
	v1 =	vadd.s32 v0, v3;
	v3 =	vld [tilespmem:$0x20]  }
0x29: {  	[tilespmem:$0x50] =	vst v1;
	v1 =	vld [tilespmem:$0x70]  }
0x2a: {  	v6 =	vld [tilespmem:$0x60];
	[tilespmem:$0xB0] =	vst v4  }
0x2b: {  	v61 =	vld [tilespmem:$0x30];
	v58 =	vadd.s32 v0, v5;
	[tilespmem:$0xD0] =	vst v59  }
0x2c: {  	v62 =	vld [tilespmem:$0x80];
	[tilespmem:$0x10] =	vst v58  }
0x2d: {  	[tilespmem:$0xC0] =	vst v2;
	v2 =	vadd.s32 v0, v3;
	v3 =	vld [tilespmem:$0x90]  }
0x2e: {  	[tilespmem:$0x20] =	vst v2;
	v1 =	vadd.s32 v0, v1;
	v2 =	vld [tilespmem:$0x40]  }
0x2f: {  	v60 =	vadd.s32 v0, v6;
	[tilespmem:$0x70] =	vst v1;
	v1 =	vld [tilespmem:$0x90]  }
0x30: {  	v63 =	vadd.s32 v0, v61;
	[tilespmem:$0x60] =	vst v60  }
0x31: {  	v4 =	vadd.s32 v0, v62;
	[tilespmem:$0x30] =	vst v63  }
0x32: {  	[tilespmem:$0x80] =	vst v4  }
0x33: {  	[tilespmem:$0xE0] =	vst v3;
	v2 =	vadd.s32 v0, v2  }
0x34: {  	[tilespmem:$0x40] =	vst v2;
	v1 =	vadd.s32 v0, v1  }
0x35: {  	[tilespmem:$0x90] =	vst v1  }
0x36: {  	[tilespmem:s14], [sflag:$0x1] =	stream.indirect.gather [hbm4b:s4+s13], $0x90, s29, s13, $0xb8;
	[tilespmem:$0x1BF80] =	vst v63  }
0x37: {  	_ =	swait.ge [sflag:s15], $0x2D00  }
0x38: {  	[sflag:s15] =	ssyncset.done $0x0  }
0x39: {  	s30 =	simm.s32 $0x5AF0;
	[sflag:s15] =	ssyncadd.s32 $0xFFFFD300  }
0x3a: {  	[tilespmem:s30], [sflag:$0x1] =	stream.indirect.gather [hbm4b:s1+s13], $0x10, s13, s13, $0xb8;
	[tilespmem:$0x1BF80] =	vst v63  }
0x3b: {  	_ =	swait.ge [sflag:s15], $0x500  }
0x3c: {  	[sflag:s15] =	ssyncset.done $0x0  }
0x3d: {  	s31 =	simm.s32 $0x130;
	[sflag:s15] =	ssyncadd.s32 $0xFFFFFB00  }
0x3e: {  	v1 =	vld [tilespmem:s31+$0x40]  }
0x3f: {  	v2 =	vld [tilespmem:s30+$0x0];
	_ =	sdelay $0x4  }
0x40: {  	v1 =	vadd.f32 v2, v1;
	_ =	sdelay $0x1  }
0x41: {  	v2 =	vmul.f32 $2.000000030e-01, v1;
	_ =	sdelay $0x1  }
0x42: {  	v1 =	vmax.f32 v1, v2  }
0x43: {  	v1 =	vmul.f32 $1.442695020e+00, v1;
	_ =	sdelay $0x1  }
0x44: {  	(erf) = vpow2.f32 v1;
	_ =	sdelay $0x1  }
0x45: {  	v1 =	vmov s29  }
0x46: {  	v1 =	vmul.u32 $0x90, v1;
	_ =	sdelay $0x1  }
0x47: {  	v1 =	vadd.s32 $0x80, v1  }
0x48: {  	v1 =	vbroadcast v1, $0x0;
	_ =	sdelay $0x2  }
0x49: {  	v2 =	vpop (erf)  }
0x4a: {  	s19 =	simm.s32 $0x2E30;
	v2 =	vnsel vm0, $0x0, v2  }
0x4b: {  	[tilespmem:s19+$0x40] =	vst v2  }
0x4c: {  	v2 =	vld.idx.msk [tilespmem:v1+s16+$0x0], $0xffff  }
0x4d: {  	v3 =	vld [tilespmem:s31+$0xFFFFFFC0];
	_ =	sdelay $0x1  }
0x4e: {  	v1 =	vor.u32 $0x1, v1;
	_ =	sdelay $0x2  }
0x4f: {  	v3 =	vmul.f32 v3, v2;
	_ =	sdelay $0x1  }
0x50: {  	v1 =	vld.idx.msk [tilespmem:v1+s16+$0x0], $0xffff;
	[tilespmem:s19+$0xFFFFFFC0] =	vst v3  }
0x51: {  	v3 =	vld [tilespmem:s31+$0xFFFFFFD0];
	_ =	sdelay $0x4  }
0x52: {  	v3 =	vmul.f32 v3, v2;
	_ =	sdelay $0x1  }
0x53: {  	[tilespmem:s19+$0xFFFFFFD0] =	vst v3  }
0x54: {  	v3 =	vld [tilespmem:s31+$0xFFFFFFE0];
	_ =	sdelay $0x4  }
0x55: {  	v3 =	vmul.f32 v3, v2;
	_ =	sdelay $0x1  }
0x56: {  	[tilespmem:s19+$0xFFFFFFE0] =	vst v3  }
0x57: {  	v3 =	vld [tilespmem:s31+$0xFFFFFFF0];
	_ =	sdelay $0x4  }
0x58: {  	v2 =	vmul.f32 v3, v2;
	_ =	sdelay $0x1  }
0x59: {  	[tilespmem:s19+$0xFFFFFFF0] =	vst v2  }
0x5a: {  	v2 =	vld [tilespmem:s31+$0x0];
	_ =	sdelay $0x4  }
0x5b: {  	v2 =	vmul.f32 v2, v1;
	_ =	sdelay $0x1  }
0x5c: {  	[tilespmem:s19+$0x0] =	vst v2  }
0x5d: {  	v2 =	vld [tilespmem:s31+$0x10];
	_ =	sdelay $0x4  }
0x5e: {  	v2 =	vmul.f32 v2, v1;
	_ =	sdelay $0x1  }
0x5f: {  	[tilespmem:s19+$0x10] =	vst v2  }
0x60: {  	v2 =	vld [tilespmem:s31+$0x20];
	_ =	sdelay $0x4  }
0x61: {  	v2 =	vmul.f32 v2, v1;
	_ =	sdelay $0x1  }
0x62: {  	[tilespmem:s19+$0x20] =	vst v2  }
0x63: {  	v2 =	vld [tilespmem:s31+$0x30];
	_ =	sdelay $0x4  }
0x64: {  	v1 =	vmul.f32 v2, v1;
	_ =	sdelay $0x1  }
0x65: {  	s20 =	simm.s32 $0x1C0;
	[tilespmem:s19+$0x30] =	vst v1  }
0x66: {  	s22 =	simm.s32 $0x5B00;
	v1 =	vld [tilespmem:s20+$0x40]  }
0x67: {  	s23 =	simm.s32 $0x2;
	s21 =	simm.s32 $0x1;
	v2 =	vld [tilespmem:s22+$0x0]  }
.LBB2_3:
0x68: {  	p1 =	sne.s32 s23, $0x4F;
	_ =	sdelay $0x3  }
0x69: {  	v1 =	vadd.f32 v2, v1;
	_ =	sdelay $0x1  }
0x6a: {  	v2 =	vmul.f32 $2.000000030e-01, v1;
	_ =	sdelay $0x1  }
0x6b: {  	v1 =	vmax.f32 v1, v2  }
0x6c: {  	v1 =	vmul.f32 $1.442695020e+00, v1;
	_ =	sdelay $0x1  }
0x6d: {  	(erf) = vpow2.f32 v1;
	_ =	sdelay $0x1  }
0x6e: {  	v1 =	vmov s21;
	s21 =	smov.u32 s23  }
0x6f: {  	v1 =	vmul.u32 $0x90, v1;
	_ =	sdelay $0x1  }
0x70: {  	v1 =	vadd.s32 $0x80, v1  }
0x71: {  	v1 =	vbroadcast v1, $0x0;
	_ =	sdelay $0x2  }
0x72: {  	v2 =	vpop (erf)  }
0x73: {  	s19 =	sadd.s32 $0x90, s19;
	v2 =	vnsel vm0, $0x0, v2  }
0x74: {  	[tilespmem:s19+$0x40] =	vst v2  }
0x75: {  	v2 =	vld.idx.msk [tilespmem:v1+s16+$0x0], $0xffff  }
0x76: {  	v3 =	vld [tilespmem:s20+$0xFFFFFFC0];
	_ =	sdelay $0x1  }
0x77: {  	v1 =	vor.u32 $0x1, v1;
	_ =	sdelay $0x2  }
0x78: {  	v3 =	vmul.f32 v3, v2;
	_ =	sdelay $0x1  }
0x79: {  	v1 =	vld.idx.msk [tilespmem:v1+s16+$0x0], $0xffff;
	[tilespmem:s19+$0xFFFFFFC0] =	vst v3  }
0x7a: {  	v3 =	vld [tilespmem:s20+$0xFFFFFFD0];
	_ =	sdelay $0x4  }
0x7b: {  	v3 =	vmul.f32 v3, v2;
	_ =	sdelay $0x1  }
0x7c: {  	[tilespmem:s19+$0xFFFFFFD0] =	vst v3  }
0x7d: {  	v3 =	vld [tilespmem:s20+$0xFFFFFFE0];
	_ =	sdelay $0x4  }
0x7e: {  	v3 =	vmul.f32 v3, v2;
	_ =	sdelay $0x1  }
0x7f: {  	[tilespmem:s19+$0xFFFFFFE0] =	vst v3  }
0x80: {  	v3 =	vld [tilespmem:s20+$0xFFFFFFF0];
	_ =	sdelay $0x4  }
0x81: {  	v2 =	vmul.f32 v3, v2;
	_ =	sdelay $0x1  }
0x82: {  	[tilespmem:s19+$0xFFFFFFF0] =	vst v2  }
0x83: {  	v2 =	vld [tilespmem:s20+$0x0];
	_ =	sdelay $0x4  }
0x84: {  	v2 =	vmul.f32 v2, v1;
	_ =	sdelay $0x1  }
0x85: {  	[tilespmem:s19+$0x0] =	vst v2  }
0x86: {  	v2 =	vld [tilespmem:s20+$0x10];
	_ =	sdelay $0x4  }
0x87: {  	v2 =	vmul.f32 v2, v1;
	_ =	sdelay $0x1  }
0x88: {  	[tilespmem:s19+$0x10] =	vst v2  }
0x89: {  	v2 =	vld [tilespmem:s20+$0x20];
	_ =	sdelay $0x4  }
0x8a: {  	v2 =	vmul.f32 v2, v1;
	_ =	sdelay $0x1  }
0x8b: {  	[tilespmem:s19+$0x20] =	vst v2  }
0x8c: {  	v2 =	vld [tilespmem:s20+$0x30];
	_ =	sdelay $0x4  }
.Ltmp0:
0x8d: {  	v1 =	vmul.f32 v2, v1;
	(pc) =	sbr.rel @p1 .LBB2_3-.Ltmp0, $4  }
0x8e: {  	_ = 	snop  }
0x8f: {  	s20 =	sadd.s32 $0x90, s20;
	[tilespmem:s19+$0x30] =	vst v1  }
0x90: {  	s22 =	sadd.s32 $0x10, s22;
	v1 =	vld [tilespmem:s20+$0x40]  }
0x91: {  	s23 =	sadd.s32 $0x1, s23;
	v2 =	vld [tilespmem:s22+$0x0]  }
0x92: {  	_ =	sdelay $0x3  }
0x93: {  	v1 =	vadd.f32 v2, v1;
	_ =	sdelay $0x1  }
0x94: {  	v2 =	vmul.f32 $2.000000030e-01, v1;
	_ =	sdelay $0x1  }
0x95: {  	v1 =	vmax.f32 v1, v2  }
0x96: {  	v1 =	vmul.f32 $1.442695020e+00, v1;
	_ =	sdelay $0x1  }
0x97: {  	(erf) = vpow2.f32 v1;
	_ =	sdelay $0x1  }
0x98: {  	v1 =	vmov s21  }
0x99: {  	v1 =	vmul.u32 $0x90, v1;
	_ =	sdelay $0x1  }
0x9a: {  	v1 =	vadd.s32 $0x80, v1  }
0x9b: {  	v1 =	vbroadcast v1, $0x0;
	_ =	sdelay $0x2  }
0x9c: {  	v2 =	vpop (erf)  }
0x9d: {  	s19 =	sadd.s32 $0x90, s19;
	v2 =	vnsel vm0, $0x0, v2  }
0x9e: {  	[tilespmem:s19+$0x40] =	vst v2  }
0x9f: {  	v2 =	vld.idx.msk [tilespmem:v1+s16+$0x0], $0xffff  }
0xa0: {  	v3 =	vld [tilespmem:s20+$0xFFFFFFC0];
	_ =	sdelay $0x1  }
0xa1: {  	v1 =	vor.u32 $0x1, v1;
	_ =	sdelay $0x2  }
0xa2: {  	v3 =	vmul.f32 v3, v2;
	_ =	sdelay $0x1  }
0xa3: {  	v1 =	vld.idx.msk [tilespmem:v1+s16+$0x0], $0xffff;
	[tilespmem:s19+$0xFFFFFFC0] =	vst v3  }
0xa4: {  	v3 =	vld [tilespmem:s20+$0xFFFFFFD0];
	_ =	sdelay $0x4  }
0xa5: {  	v3 =	vmul.f32 v3, v2;
	_ =	sdelay $0x1  }
0xa6: {  	[tilespmem:s19+$0xFFFFFFD0] =	vst v3  }
0xa7: {  	v3 =	vld [tilespmem:s20+$0xFFFFFFE0];
	_ =	sdelay $0x4  }
0xa8: {  	v3 =	vmul.f32 v3, v2;
	_ =	sdelay $0x1  }
0xa9: {  	[tilespmem:s19+$0xFFFFFFE0] =	vst v3  }
0xaa: {  	v3 =	vld [tilespmem:s20+$0xFFFFFFF0];
	_ =	sdelay $0x4  }
0xab: {  	v2 =	vmul.f32 v3, v2;
	_ =	sdelay $0x1  }
0xac: {  	[tilespmem:s19+$0xFFFFFFF0] =	vst v2  }
0xad: {  	v2 =	vld [tilespmem:s20+$0x0];
	_ =	sdelay $0x4  }
0xae: {  	v2 =	vmul.f32 v2, v1;
	_ =	sdelay $0x1  }
0xaf: {  	[tilespmem:s19+$0x0] =	vst v2  }
0xb0: {  	v2 =	vld [tilespmem:s20+$0x10];
	_ =	sdelay $0x4  }
0xb1: {  	v2 =	vmul.f32 v2, v1;
	_ =	sdelay $0x1  }
0xb2: {  	[tilespmem:s19+$0x10] =	vst v2  }
0xb3: {  	v2 =	vld [tilespmem:s20+$0x20];
	_ =	sdelay $0x4  }
0xb4: {  	v2 =	vmul.f32 v2, v1;
	_ =	sdelay $0x1  }
0xb5: {  	[tilespmem:s19+$0x20] =	vst v2  }
0xb6: {  	v2 =	vld [tilespmem:s20+$0x30];
	_ =	sdelay $0x4  }
0xb7: {  	s18 =	sadd.s32 $0x1, s18;
	v1 =	vmul.f32 v2, v1  }
0xb8: {  	p1 =	sne.s32 s18, $0xFA  }
.Ltmp1:
0xb9: {  	[tilespmem:s19+$0x30] =	vst v1;
	(pc) =	sbr.rel @p1 .LBB2_2-.Ltmp1, $4  }
0xba: {  	[spmem:s2] =	stream.indirect.scatter.add.f32 [tilespmem:s16], [sflag:$0x2], $0x90, s17, s13, $0xb8;
	[tilespmem:$0x1BF80] =	vst v63  }
0xbb: {  	_ =	swait.ge [sflag:s12], $0x2D00  }
0xbc: {  	[sflag:s12] =	ssyncset.done $0x0  }
0xbd: {  	[sflag:s12] =	ssyncadd.s32 $0xFFFFD300  }
0xbe: {  	[bflag:$0x0] =	sbarrier.arrive $0xFFFF;
	s18 =	simm.s32 @!p0 $0x1C02;
	s3 =	sadd.s32 $0x1, s3  }
0xbf: {  	[hbm:s9], [sflag:s18] =	dma.local @!p0 [spmem:s11], $0x2BF20  }
0xc0: {  	p1 =	sne.s32 s3, s10  }
.Ltmp2:
0xc1: {  	_ = 	snop;
	(pc) =	sbr.rel @p1 .LBB2_1-.Ltmp2, $4  }
0xc2: {  	s18 =	simm.s32 @!p0 $0x2  }
0xc3: {  	_ =	swait.ge @!p0 [sflag:s18], $0x2BF20  }
0xc4: {  	[sflag:s18] =	ssyncset.done @!p0 $0x0  }
0xc5: {  	[sflag:s18] =	ssyncadd.s32 @!p0 $0xFFFD40E0  }
0xc6: {  	_ =	sfence.sel $0x180000  }
0xc7: {  	[bflag:$0x0] =	sbarrier.arrive $0xFFFF  }
0xc8: {  	_ =	strace $0x9000004D  }
0xc9: {  	s0 =	sadd.s32 @!p0 $0x100000, s0;
	[bflag:$0x2] =	sbarrier.arrive $0xFFFF  }
0xca: {  	[sflag:s0] =	ssyncadd.tile.s32 @!p0 $0x1;
	_ =	shalt  }
.Lfunc_end2:
_tile_overlayer_lowered:
.L_overlay_start_2:
0xcb: {  	(tag) =	ssettag $0x2  }
0xcc: {  	s0 =	rddreg [dreg:$0x0];
	s2 =	stileid.u32  }
0xcd: {  	s1 =	rddreg [dreg:$0x1];
	p0 =	sne.s32 s2, $0x0  }
0xce: {  	s3 =	rddreg [dreg:$0x2];
	[bflag:$0x3] =	sbarrier.arrive $0xFFFF;
	s2 =	simm.s32 @!p0 $0x1C02  }
0xcf: {  	[timem:s3], [sflag:s2] =	dma.local @!p0 [hbm:s0], s1  }
0xd0: {  	s0 =	simm.s32 @!p0 $0x2  }
0xd1: {  	_ =	swait.ge @!p0 [sflag:s0], s1  }
0xd2: {  	s1 =	ssub.s32 @!p0 $0x0, s1;
	[sflag:s0] =	ssyncset.done @!p0 $0x0  }
0xd3: {  	[sflag:s0] =	ssyncadd.s32 @!p0 s1  }
0xd4: {  	[bflag:$0x3] =	sbarrier.arrive $0xFFFF  }
0xd5: {  	_ =	shalt  }

// kernel: kernel.24.cloned.1.call-start
scs
__scs_entry_jumppad:
0x0: {  	(pc) =	sbr.rel $0x88, $3  }
0x1: {  	(tag) =	ssettag $0x0;
	lr =	simm.s32 $0x1  }
0x2: {  	[smem:$0x3F97] =	sst lr;
	_ =	strace $0xD0000000  }
0x3: {  	_ = 	snop  }
0x4: {  	_ = 	snop  }
0x5: {  	_ = 	snop  }
0x6: {  	_ = 	snop  }
0x7: {  	_ = 	snop  }
__scs_overlays_trampoline_lowered:
0x8: {  	[smem:$0x3FA6] =	sst s0  }
0x9: {  	[smem:$0x3FA7] =	sst s1  }
0xa: {  	[smem:$0x3FA8] =	sst s2  }
0xb: {  	[smem:$0x3FA9] =	sst s3  }
0xc: {  	[smem:$0x3FAA] =	sst s4  }
0xd: {  	[smem:$0x3FAB] =	sst s5  }
0xe: {  	[smem:$0x3FAC] =	sst s6  }
0xf: {  	[smem:$0x3FAD] =	sst s7  }
0x10: {  	[smem:$0x3FAE] =	sst s8  }
0x11: {  	[smem:$0x3FAF] =	sst s9;
	s0 =	simm.s32 @!p0 $0x0  }
0x12: {  	s1 =	sld [smem:$0x3F95];
	s0 =	simm.s32 @p0 $0x1  }
0x13: {  	[smem:$0x3FB0] =	sst s0;
	s0 =	simm.s32 @!p1 $0x0  }
0x14: {  	s2 =	sld [smem:$0x3F94];
	s0 =	simm.s32 @p1 $0x1  }
0x15: {  	[smem:$0x3FB1] =	sst s0;
	s0 =	simm.s32 @!p2 $0x0  }
0x16: {  	s3 =	sld [smem:$0x3FDB];
	s0 =	simm.s32 @p2 $0x1  }
0x17: {  	s4 =	simm.s32 $0x1BF5;
	[smem:$0x3FB3] =	sst s0  }
0x18: {  	s0 =	sld [smem:$0x3F96];
	_ =	swait.ge [sflag:s4], $0x0  }
0x19: {  	s7 =	sld [smem:$0x3F97]  }
0x1a: {  	s8 =	sadd.s32 $0xFFFFE003, lr  }
0x1b: {  	s9 =	sadd.s32 $0xFFFFFEF7, lr;
	s5 =	simm.s32 $0xFFFFFFFF;
	p2 =	slt.u32 s8, $0xFFFFF086  }
0x1c: {  	p1 =	slt.u32 s9, $0xF7A;
	s5 =	simm.s32 @!p2 $0x0  }
0x1d: {  	s5 =	simm.s32 @p1 $0x1;
	p0 =	seq.s32 s7, s2  }
0x1e: {  	s7 =	smul.u32 @!p0 $0xF7A, s2;
	p2 =	seq.s32 @!p0 s5, $0x0  }
0x1f: {  	s9 =	smul.u32 $0xF7A, s1;
	s8 =	simm.s32 @!p0 $0x1BF5;
	p2 =	por !p2, p0  }
0x20: {  	[sflag:s8] =	ssyncset.s32 @!p0 $0xFFFFF086;
	s6 =	sadd.s32 @!p0 s3, s7;
	s7 =	simm.s32 @!p0 $0x108  }
0x21: {  	s3 =	sadd.s32 s3, s9;
	s6 =	sadd.s32 @!p0 $0x88, s6;
	s7 =	simm.s32 @p2 $0x1082  }
0x22: {  	[simem:s7], [sflag:s8] =	dma.local @!p0 [hbm:s6], $0xF7A  }
0x23: {  	s9 =	sor.u32 $0xD0000000, s2;
	s6 =	simm.s32 $0x108;
	_ =	swait.ge @!p0 [sflag:s8], $0x0  }
0x24: {  	s3 =	sadd.s32 $0x88, s3;
	s6 =	simm.s32 @!p1 $0x1082;
	[sflag:s4] =	ssyncset.s32 $0xFFFFF086  }
0x25: {  	[simem:s6], [sflag:s4] =	dma.local [hbm:s3], $0xF7A  }
0x26: {  	[smem:$0x3F97] =	sst s1;
	(tag) =	ssettag s2;
	_ =	strace s9  }
0x27: {  	s1 =	sld [smem:$0x3FA7]  }
0x28: {  	s2 =	sld [smem:$0x3FA8]  }
0x29: {  	s4 =	sld [smem:$0x3FAA]  }
0x2a: {  	p0 =	seq.s32 s5, $0x0;
	s5 =	sld [smem:$0x3FAB]  }
0x2b: {  	s6 =	sld [smem:$0x3FAC]  }
0x2c: {  	s7 =	sld [smem:$0x3FAD]  }
0x2d: {  	s3 =	simm.s32 $0x108;
	s8 =	sld [smem:$0x3FAE]  }
0x2e: {  	s3 =	simm.s32 @!p0 $0x1082;
	s9 =	sld [smem:$0x3FAF]  }
0x2f: {  	lr =	sadd.s32 s0, s3;
	s0 =	sld [smem:$0x3FA6]  }
0x30: {  	s3 =	sld [smem:$0x3FA9]  }
0x31: {  	[smem:$0x3FB2] =	sst s10  }
0x32: {  	s10 =	sld [smem:$0x3FB0];
	_ =	sdelay $0x3  }
0x33: {  	p0 =	seq.s32 s10, $0x1;
	s10 =	sld [smem:$0x3FB2];
	_ =	sdelay $0x3  }
0x34: {  	[smem:$0x3FB2] =	sst s10  }
0x35: {  	s10 =	sld [smem:$0x3FB1];
	_ =	sdelay $0x3  }
0x36: {  	p1 =	seq.s32 s10, $0x1;
	s10 =	sld [smem:$0x3FB2];
	_ =	sdelay $0x3  }
0x37: {  	[smem:$0x3FB2] =	sst s10  }
0x38: {  	s10 =	sld [smem:$0x3FB3]  }
0x39: {  	_ = 	snop;
	(pc) =	sbr.ind lr, $3  }
0x3a: {  	_ = 	snop  }
0x3b: {  	_ = 	snop  }
0x3c: {  	p2 =	seq.s32 s10, $0x1;
	s10 =	sld [smem:$0x3FB2]  }
0x3d: {  	_ =	shalt  }
0x3e: {  	_ =	shalt  }
0x3f: {  	_ =	shalt  }
0x40: {  	_ =	shalt  }
0x41: {  	_ =	shalt  }
0x42: {  	_ =	shalt  }
0x43: {  	_ =	shalt  }
0x44: {  	_ =	shalt  }
0x45: {  	_ =	shalt  }
0x46: {  	_ =	shalt  }
0x47: {  	_ =	shalt  }
0x48: {  	_ =	shalt  }
0x49: {  	_ =	shalt  }
0x4a: {  	_ =	shalt  }
0x4b: {  	_ =	shalt  }
0x4c: {  	_ =	shalt  }
0x4d: {  	_ =	shalt  }
0x4e: {  	_ =	shalt  }
0x4f: {  	_ =	shalt  }
0x50: {  	_ =	shalt  }
0x51: {  	_ =	shalt  }
0x52: {  	_ =	shalt  }
0x53: {  	_ =	shalt  }
0x54: {  	_ =	shalt  }
0x55: {  	_ =	shalt  }
0x56: {  	_ =	shalt  }
0x57: {  	_ =	shalt  }
0x58: {  	_ =	shalt  }
0x59: {  	_ =	shalt  }
0x5a: {  	_ =	shalt  }
0x5b: {  	_ =	shalt  }
0x5c: {  	_ =	shalt  }
0x5d: {  	_ =	shalt  }
0x5e: {  	_ =	shalt  }
0x5f: {  	_ =	shalt  }
0x60: {  	_ =	shalt  }
0x61: {  	_ =	shalt  }
0x62: {  	_ =	shalt  }
0x63: {  	_ =	shalt  }
0x64: {  	_ =	shalt  }
0x65: {  	_ =	shalt  }
0x66: {  	_ =	shalt  }
0x67: {  	_ =	shalt  }
0x68: {  	_ =	shalt  }
0x69: {  	_ =	shalt  }
0x6a: {  	_ =	shalt  }
0x6b: {  	_ =	shalt  }
0x6c: {  	_ =	shalt  }
0x6d: {  	_ =	shalt  }
0x6e: {  	_ =	shalt  }
0x6f: {  	_ =	shalt  }
0x70: {  	_ =	shalt  }
0x71: {  	_ =	shalt  }
0x72: {  	_ =	shalt  }
0x73: {  	_ =	shalt  }
0x74: {  	_ =	shalt  }
0x75: {  	_ =	shalt  }
0x76: {  	_ =	shalt  }
0x77: {  	_ =	shalt  }
0x78: {  	_ =	shalt  }
0x79: {  	_ =	shalt  }
0x7a: {  	_ =	shalt  }
0x7b: {  	_ =	shalt  }
0x7c: {  	_ =	shalt  }
0x7d: {  	_ =	shalt  }
0x7e: {  	_ =	shalt  }
0x7f: {  	_ =	shalt  }
0x80: {  	_ =	shalt  }
0x81: {  	_ =	shalt  }
0x82: {  	_ =	shalt  }
0x83: {  	_ =	shalt  }
0x84: {  	_ =	shalt  }
0x85: {  	_ =	shalt  }
0x86: {  	_ =	shalt  }
0x87: {  	_ =	shalt  }
.Lfunc_end0:
.L_simem_size_0:
called_computation.3_lowered:
.L_overlay_start_0:
0x88: {  	s2 =	sld [smem:$0x3FD9]  }
0x89: {  	s3 =	sld [smem:$0x3FFE];
	_ =	sdelay $0x1  }
0x8a: {  	s1 =	srdreg.scid  }
0x8b: {  	s0 =	sand.u32 $0x1, s1  }
0x8c: {  	s17 =	sshll.u32 s0, $0xA;
	s2 =	sadd.s32 s3, s2  }
0x8d: {  	s2 =	sadd.s32 s2, s17  }
0x8e: {  	[smem:$0x3FBE] =	sst s2  }
0x8f: {  	_ = 	snop  }
0x90: {  	s2 =	sld [smem:$0x3FD0];
	(tm) =	ssettm $0x1  }
0x91: {  	s18 =	sld [smem:$0x3FFB];
	_ =	sdelay $0x3  }
0x92: {  	_ =	strace s18  }
0x93: {  	s3 =	sld [smem:$0x3FFC];
	_ =	sdelay $0x3  }
0x94: {  	_ =	strace s3  }
0x95: {  	s3 =	sld [smem:$0x3FFD];
	_ =	sdelay $0x3  }
0x96: {  	_ =	strace s3  }
0x97: {  	_ =	strace $0x8FFFFFFF  }
0x98: {  	s19 =	sld [smem:$0x3FDB];
	_ =	sdelay $0x1  }
0x99: {  	s4 =	simm.s32 $_scs_section_size  }
0x9a: {  	s5 =	simm.s32 $_size__tile_overlayer_lowered;
	s6 =	simm.s32 $_tile_overlayer_lowered  }
0x9b: {  	s22 =	simm.s32 $0x1BFF;
	s21 =	sshll.u32 s6, $0x1;
	s3 =	sadd.s32 s4, s19  }
0x9c: {  	s7 =	simm.s32 $0x0;
	s20 =	sshll.u32 s5, $0x1;
	s5 =	sadd.s32 s21, s3  }
0x9d: {  	[timem:s7], [sflag:s22] =	dma.local [hbm:s5], s20  }
0x9e: {  	_ =	swait.ge [sflag:s22], s20  }
0x9f: {  	s4 =	ssub.s32 $0x0, s20;
	[sflag:s22] =	ssyncset.done $0x0  }
0xa0: {  	[sflag:s22] =	ssyncadd.s32 s4;
	_ =	sdelay $0x1  }
0xa1: {  	s23 =	simm.s32 $0x1B8B  }
0xa2: {  	_ =	swait.ge [sflag:s23], $0x1  }
0xa3: {  	[sflag:s23] =	ssyncset.done $0x0  }
0xa4: {  	s25 =	simm.s32 $0x1B8E;
	s24 =	sld [smem:$0x3FFE];
	[sflag:s23] =	ssyncadd.s32 $0xFFFFFFFF  }
0xa5: {  	s26 =	simm.s32 $execute0_lowered;
	[smem:$0x3FD2] =	sst s25  }
0xa6: {  	s5 =	sshll.u32 s26, $0x1;
	_ =	strace $0x8000004F;
	[dreg:$0x1] =	wrdreg $0xFFFFFFFF  }
0xa7: {  	s28 =	simm.s32 $_size_execute0_lowered;
	s3 =	sadd.s32 s3, s5;
	[dreg:$0x0] =	wrdreg $0x0  }
0xa8: {  	s5 =	sshll.u32 s28, $0x1;
	[dreg:$0x2] =	wrdreg s3  }
0xa9: {  	[dreg:$0x3] =	wrdreg s5  }
0xaa: {  	[dreg:$0x4] =	wrdreg $0xC0  }
0xab: {  	_ =	task [dreg:s7], $0x5FFFF  }
0xac: {  	[dreg:$0x1] =	wrdreg $0xFFFFFFFF  }
0xad: {  	[dreg:$0x0] =	wrdreg $0x60  }
0xae: {  	[dreg:$0x2] =	wrdreg s2  }
0xaf: {  	[dreg:$0x3] =	wrdreg s24  }
0xb0: {  	[dreg:$0x4] =	wrdreg $0x14A00  }
0xb1: {  	[dreg:$0x5] =	wrdreg $0x9  }
0xb2: {  	_ =	task.clear_ibuf [dreg:s7], $0x6FFFF;
	_ =	strace $0x9000004F  }
0xb3: {  	s29 =	simm.s32 $0x9;
	_ =	strace $0x80000051  }
0xb4: {  	_ =	swait.ge [sflag:s29], $0x1  }
0xb5: {  	[sflag:s29] =	ssyncadd.s32 $0xFFFFFFFF  }
0xb6: {  	_ =	strace $0x90000051  }
0xb7: {  	_ =	sfence  }
0xb8: {  	s30 =	sld [smem:$0x0];
	_ =	sdelay $0x2  }
0xb9: {  	s31 =	sshll.u32 s1, $0xD;
	s1 =	sshrl.u32 s1, $0x2  }
0xba: {  	s3 =	sand.u32 $0x4000, s31;
	s1 =	sadd.s32 s1, s30  }
0xbb: {  	s0 =	sor.u32 s3, s0;
	s1 =	sshll.u32 s1, $0x11  }
0xbc: {  	s0 =	sor.u32 s1, s0  }
0xbd: {  	s0 =	sadd.s32 $0x8F2B, s0  }
0xbe: {  	[sflag:s0] =	ssyncadd.remote.s32 $0x1  }
0xbf: {  	_ =	sfence.sel $0xFFFF  }
0xc0: {  	[dreg:$0x0] =	wrdreg $0xFFFFFFFF;
	(pc) =	sbr.abs _section_cstart, $3  }
0xc1: {  	[dreg:$0x1] =	wrdreg $0xFFFFFFFF  }
0xc2: {  	_ =	task.clear_ibuf [dreg:s7], $0x2FFFF;
	_ =	strace $0x9FFFFFFF  }
0xc3: {  	(tm) =	ssettm $0x7FFFFFFF  }
tec
execute0_lowered:
.L_overlay_start_1:
0x0: {  	(tag) =	ssettag $0x1  }
0x1: {  	s0 =	rddreg [dreg:$0x0]  }
0x2: {  	s1 =	srdreg.scid;
	s5 =	rddreg [dreg:$0x1]  }
0x3: {  	s15 =	stileid.u32;
	s2 =	rddreg [dreg:$0x2];
	s3 =	simm.s32 $0x0  }
0x4: {  	s12 =	simm.s32 $0x2;
	s13 =	simm.s32 $0x50;
	s14 =	simm.s32 $0xA0  }
0x5: {  	s6 =	sand.u32 $0x1, s1;
	s7 =	smul.u32 $0x2710, s15;
	s1 =	rddreg [dreg:$0x3]  }
0x6: {  	s17 =	simm.s32 $0x0;
	[smem:$0x7FF] =	sst s3;
	s4 =	smul.u32 $0x27100, s6  }
0x7: {  	p0 =	seq.s32 s15, $0x0;
	p2 =	sne.s32 s15, $0x0;
	s30 =	smul.u32 $0x13880, s6  }
0x8: {  	_ =	strace $0x80000050;
	s31 =	ssub.s32 $0x2, s6;
	p1 =	seq.s32 s6, $0x1  }
0x9: {  	s6 =	sor.u32 s6, s15;
	s16 =	sshrl.u32 @!p2 s2, $0x3;
	s9 =	sshrl.u32 s31, $0x1  }
0xa: {  	p0 =	por !p0, !p1;
	p1 =	sne.s32 s6, $0x0;
	s4 =	sadd.s32 s7, s4  }
0xb: {  	s7 =	ssub.s32 s31, s9;
	p0 =	por !p0, !p0;
	s9 =	sshll.u32 @!p1 s15, $0x6  }
0xc: {  	s10 =	sshrl.u32 @!p1 s2, $0x3;
	s15 =	simm.s32 $0x1;
	s4 =	sshrl.u32 s4, $0x3  }
0xd: {  	s6 =	smax.u32 s7, $0x1;
	s9 =	sor.u32 @!p1 $0x1C02, s9;
	s11 =	sshrl.u32 @p0 s2, $0x3  }
0xe: {  	s8 =	sadd.s32 s4, s5;
	s4 =	sadd.s32 $0x16E00, s5;
	s5 =	sadd.s32 s30, s5  }
0xf: {  	s5 =	sadd.s32 $0x2A800, s5;
	s7 =	sadd.s32 $0xD000, s8;
	s8 =	sadd.s32 $0x3200, s8  }
.LBB2_1:
0x10: {  	[spmem:s10], [sflag:s9] =	dma.local @!p1 [hbm:s0], $0x13880  }
0x11: {  	s18 =	simm.s32 @!p1 $0x2  }
0x12: {  	_ =	swait.ge @!p1 [sflag:s18], $0x13880  }
0x13: {  	[sflag:s18] =	ssyncset.done @!p1 $0x0  }
0x14: {  	[sflag:s18] =	ssyncadd.s32 @!p1 $0xFFFEC780;
	s18 =	simm.s32 @p0 $0x1C02  }
0x15: {  	[spmem:s11], [sflag:s18] =	dma.local @p0 [hbm:s4], $0x13880  }
0x16: {  	s18 =	simm.s32 @p0 $0x2  }
0x17: {  	_ =	swait.ge @p0 [sflag:s18], $0x13880  }
0x18: {  	[sflag:s18] =	ssyncset.done @p0 $0x0  }
0x19: {  	[sflag:s18] =	ssyncadd.s32 @p0 $0xFFFEC780  }
0x1a: {  	s30 =	sadd.s32 $0x0, s8;
	[bflag:$0x0] =	sbarrier.arrive $0xFFFF  }
0x1b: {  	[tilespmem:s3], [sflag:$0x2] =	stream.linear.gather [hbm4b:s30+s3], $0x50, $0x38;
	[tilespmem:$0xB0E0] =	vst v63  }
0x1c: {  	_ =	swait.ge [sflag:s12], $0x50  }
0x1d: {  	[sflag:s12] =	ssyncset.done $0x0  }
0x1e: {  	s31 =	sadd.s32 $0x0, s7;
	[sflag:s12] =	ssyncadd.s32 $0xFFFFFFB0  }
0x1f: {  	[tilespmem:s13], [sflag:$0x2] =	stream.linear.gather [hbm4b:s31+s3], $0x50, $0x38;
	[tilespmem:$0xB0E0] =	vst v63  }
0x20: {  	_ =	swait.ge [sflag:s12], $0x50  }
0x21: {  	[sflag:s12] =	ssyncset.done $0x0  }
0x22: {  	[sflag:s12] =	ssyncadd.s32 $0xFFFFFFB0  }
0x23: {  	[tilespmem:s14], [sflag:$0x1] =	stream.indirect.gather [hbm4b:s0+s13], $0x40, s3, s13, $0xb8;
	[tilespmem:$0xB0E0] =	vst v63  }
0x24: {  	_ =	swait.ge [sflag:s15], $0x1400  }
0x25: {  	[sflag:s15] =	ssyncset.done $0x0  }
0x26: {  	[sflag:s15] =	ssyncadd.s32 $0xFFFFEC00  }
0x27: {  	[spmem:s2] =	stream.indirect.scatter.add.f32 [tilespmem:s14], [sflag:$0x2], $0x40, s13, s13, $0xb8;
	[tilespmem:$0xB0E0] =	vst v63  }
0x28: {  	_ =	swait.ge [sflag:s12], $0x1400  }
0x29: {  	s19 =	simm.s32 $0x14;
	s18 =	simm.s32 $0xA;
	[sflag:s12] =	ssyncset.done $0x0  }
.LBB2_2:
0x2a: {  	s20 =	sadd.s32 s18, s8  }
0x2b: {  	[sflag:s12] =	ssyncadd.s32 $0xFFFFEC00;
	s21 =	smov.u32 s19;
	s22 =	sadd.s32 $0xA, s19  }
0x2c: {  	[tilespmem:s3], [sflag:$0x2] =	stream.linear.gather [hbm4b:s20+s3], $0x50, $0x38;
	[tilespmem:$0xB0E0] =	vst v63  }
0x2d: {  	p3 =	sne.s32 s19, $0x4D8;
	_ =	swait.ge [sflag:s12], $0x50  }
0x2e: {  	[sflag:s12] =	ssyncset.done $0x0  }
0x2f: {  	s19 =	sadd.s32 s18, s7;
	s18 =	smov.u32 s21;
	[sflag:s12] =	ssyncadd.s32 $0xFFFFFFB0  }
0x30: {  	[tilespmem:s13], [sflag:$0x2] =	stream.linear.gather [hbm4b:s19+s3], $0x50, $0x38;
	[tilespmem:$0xB0E0] =	vst v63  }
0x31: {  	_ =	swait.ge [sflag:s12], $0x50  }
0x32: {  	[sflag:s12] =	ssyncset.done $0x0  }
0x33: {  	[sflag:s12] =	ssyncadd.s32 $0xFFFFFFB0  }
0x34: {  	[tilespmem:s14], [sflag:$0x1] =	stream.indirect.gather [hbm4b:s0+s13], $0x40, s3, s13, $0xb8;
	[tilespmem:$0xB0E0] =	vst v63  }
0x35: {  	_ =	swait.ge [sflag:s15], $0x1400  }
.Ltmp0:
0x36: {  	[sflag:s15] =	ssyncset.done $0x0;
	(pc) =	sbr.rel @p3 .LBB2_2-.Ltmp0, $4  }
0x37: {  	[sflag:s15] =	ssyncadd.s32 $0xFFFFEC00  }
0x38: {  	[spmem:s2] =	stream.indirect.scatter.add.f32 [tilespmem:s14], [sflag:$0x2], $0x40, s13, s13, $0xb8;
	[tilespmem:$0xB0E0] =	vst v63  }
0x39: {  	_ =	swait.ge [sflag:s12], $0x1400  }
0x3a: {  	s19 =	smov.u32 s22;
	[sflag:s12] =	ssyncset.done $0x0  }
0x3b: {  	s19 =	sadd.s32 s18, s8;
	[sflag:s12] =	ssyncadd.s32 $0xFFFFEC00  }
0x3c: {  	[tilespmem:s3], [sflag:$0x2] =	stream.linear.gather [hbm4b:s19+s3], $0x50, $0x38;
	[tilespmem:$0xB0E0] =	vst v63  }
0x3d: {  	_ =	swait.ge [sflag:s12], $0x50  }
0x3e: {  	[sflag:s12] =	ssyncset.done $0x0  }
0x3f: {  	s31 =	sadd.s32 s18, s7;
	[sflag:s12] =	ssyncadd.s32 $0xFFFFFFB0  }
0x40: {  	[tilespmem:s13], [sflag:$0x2] =	stream.linear.gather [hbm4b:s31+s3], $0x50, $0x38;
	[tilespmem:$0xB0E0] =	vst v63  }
0x41: {  	_ =	swait.ge [sflag:s12], $0x50  }
0x42: {  	[sflag:s12] =	ssyncset.done $0x0  }
0x43: {  	[sflag:s12] =	ssyncadd.s32 $0xFFFFFFB0  }
0x44: {  	[tilespmem:s14], [sflag:$0x1] =	stream.indirect.gather [hbm4b:s0+s13], $0x40, s3, s13, $0xb8;
	[tilespmem:$0xB0E0] =	vst v63  }
0x45: {  	_ =	swait.ge [sflag:s15], $0x1400  }
0x46: {  	[sflag:s15] =	ssyncset.done $0x0  }
0x47: {  	[sflag:s15] =	ssyncadd.s32 $0xFFFFEC00  }
0x48: {  	[spmem:s2] =	stream.indirect.scatter.add.f32 [tilespmem:s14], [sflag:$0x2], $0x40, s13, s13, $0xb8;
	[tilespmem:$0xB0E0] =	vst v63  }
0x49: {  	_ =	swait.ge [sflag:s12], $0x1400  }
0x4a: {  	[sflag:s12] =	ssyncset.done $0x0  }
0x4b: {  	s17 =	sadd.s32 $0x1, s17;
	[sflag:s12] =	ssyncadd.s32 $0xFFFFEC00  }
0x4c: {  	s18 =	simm.s32 @!p2 $0x1C02;
	p3 =	sne.s32 s17, s6;
	[bflag:$0x0] =	sbarrier.arrive $0xFFFF  }
0x4d: {  	[hbm:s5], [sflag:s18] =	dma.local @!p2 [spmem:s16], $0x13880  }
.Ltmp1:
0x4e: {  	_ = 	snop;
	(pc) =	sbr.rel @p3 .LBB2_1-.Ltmp1, $4  }
0x4f: {  	s18 =	simm.s32 @!p2 $0x2  }
0x50: {  	_ =	swait.ge @!p2 [sflag:s18], $0x13880  }
0x51: {  	[sflag:s18] =	ssyncset.done @!p2 $0x0  }
0x52: {  	[sflag:s18] =	ssyncadd.s32 @!p2 $0xFFFEC780  }
0x53: {  	_ =	sfence.sel $0x180000  }
0x54: {  	[bflag:$0x0] =	sbarrier.arrive $0xFFFF  }
0x55: {  	_ =	strace $0x90000050  }
0x56: {  	s0 =	sadd.s32 @!p2 $0x100000, s1;
	[bflag:$0x2] =	sbarrier.arrive $0xFFFF  }
0x57: {  	[sflag:s0] =	ssyncadd.tile.s32 @!p2 $0x1;
	_ =	shalt  }
.Lfunc_end2:
_tile_overlayer_lowered:
.L_overlay_start_2:
0x58: {  	(tag) =	ssettag $0x2  }
0x59: {  	s0 =	rddreg [dreg:$0x0];
	s2 =	stileid.u32  }
0x5a: {  	s1 =	rddreg [dreg:$0x1];
	p0 =	sne.s32 s2, $0x0  }
0x5b: {  	s3 =	rddreg [dreg:$0x2];
	[bflag:$0x3] =	sbarrier.arrive $0xFFFF;
	s2 =	simm.s32 @!p0 $0x1C02  }
0x5c: {  	[timem:s3], [sflag:s2] =	dma.local @!p0 [hbm:s0], s1  }
0x5d: {  	s0 =	simm.s32 @!p0 $0x2  }
0x5e: {  	_ =	swait.ge @!p0 [sflag:s0], s1  }
0x5f: {  	s1 =	ssub.s32 @!p0 $0x0, s1;
	[sflag:s0] =	ssyncset.done @!p0 $0x0  }
0x60: {  	[sflag:s0] =	ssyncadd.s32 @!p0 s1  }
0x61: {  	[bflag:$0x3] =	sbarrier.arrive $0xFFFF  }
0x62: {  	_ =	shalt  }

</sc_bundles>
